<compile_context>
chip_gen: v7x
topology: tpu7x:2x2x1
jax: 0.10.2.dev20260603
libtpu: 0.0.44.dev20260713+nightly
codegen_flags: <defaults>
</compile_context>

<pallas_src>
import functools

import jax
import jax.numpy as jnp
from jax import lax
from jax.experimental import pallas as pl
from jax.experimental.pallas import tpu as pltpu
from jax.experimental.pallas import tpu_sc as plsc

MAXLEN_ = 200
EMBED_ = 64
BATCH_ = 1024
NWORK_ = 32
BBLK_ = 128
NBBLK_ = BATCH_ // BBLK_
NTASK_ = MAXLEN_ * NBBLK_
TPW_ = NTASK_ // NWORK_


def _emb_kernel(xq_hbm, tok_hbm, pos_hbm, out_hbm, pos_v, idx_v,
                tok0, tok1, tr0, tr1, gs0, gs1, os0, os1):
    nc = 2
    wid = lax.axis_index("s") * nc + lax.axis_index("c")
    p0 = wid * TPW_

    pltpu.sync_copy(pos_hbm, pos_v)
    pltpu.sync_copy(xq_hbm.at[pl.ds(p0, TPW_)], idx_v)

    toks = (tok0, tok1)
    trs = (tr0, tr1)
    gsems = (gs0, gs1)
    osems = (os0, os1)

    lanes = lax.iota(jnp.int32, 16)
    ti_c = [(q * 16 + lanes) >> 3 for q in range(EMBED_ // 16)]
    r_c = [(q * 16 + lanes) & 7 for q in range(EMBED_ // 16)]

    def task_pos(p):
        s = ((p >> 6) << 3) | (p & 7)
        tj = (p >> 3) & 7
        return s, tj

    def start_gather(i, b):
        pltpu.async_copy(tok_hbm.at[idx_v.at[i]], toks[b], gsems[b])

    def wait_gather(b):
        pltpu.make_async_copy(tok_hbm.at[idx_v.at[0]], toks[b], gsems[b]).wait()

    def start_out(p, b):
        s, tj = task_pos(p)
        pltpu.async_copy(trs[b].at[:, :, pl.ds(0, BBLK_)],
                         out_hbm.at[s, slice(None), tj], osems[b])

    def wait_out(b):
        pltpu.make_async_copy(trs[b].at[:, :, pl.ds(0, BBLK_)],
                              out_hbm.at[0, slice(None), 0], osems[b]).wait()

    start_gather(0, 0)

    def super_body(kk, carry):
        for b in (0, 1):
            i = kk * 2 + b
            p = p0 + i
            nb = 1 - b
            wait_gather(b)

            @pl.when(i + 1 < TPW_)
            def _():
                start_gather(i + 1, nb)

            @pl.when(i >= 2)
            def _():
                wait_out(b)

            s, _tj = task_pos(p)
            tok = toks[b]
            tr = trs[b]
            prow = [pos_v[s, pl.ds(q * 16, 16)] for q in range(EMBED_ // 16)]

            @plsc.parallel_loop(0, BBLK_, unroll=4,
                                carry=jnp.broadcast_to(0, (16,)))
            def j_loop(j, jvec):
                for q in range(EMBED_ // 16):
                    vals = tok[j, pl.ds(q * 16, 16)] + prow[q]
                    plsc.store_scatter(tr, [ti_c[q], r_c[q], jvec], vals)
                return jvec + 1

            start_out(p, b)
        return carry

    lax.fori_loop(0, TPW_ // 2, super_body, 0)
    wait_out(0)
    wait_out(1)


def kernel(x, token_table, pos_table):
    batch, seqlen = x.shape
    xq = jnp.transpose(x.astype(jnp.int32), (1, 0))
    xq = jnp.transpose(xq.reshape(MAXLEN_ // 8, 8, NBBLK_, BBLK_), (0, 2, 1, 3))
    xq = xq.reshape(NTASK_, BBLK_)

    mesh = plsc.VectorSubcoreMesh(core_axis_name="c", subcore_axis_name="s")
    run = functools.partial(
        pl.kernel,
        mesh=mesh,
        compiler_params=pltpu.CompilerParams(
            use_tc_tiling_on_sc=False, needs_layout_passes=False),
        out_type=jax.ShapeDtypeStruct(
            (MAXLEN_, EMBED_ // 8, NBBLK_, 8, BBLK_), jnp.float32),
        scratch_types=[
            pltpu.VMEM((MAXLEN_, EMBED_), jnp.float32),
            pltpu.VMEM((TPW_, BBLK_), jnp.int32),
            pltpu.VMEM((BBLK_, EMBED_), jnp.float32),
            pltpu.VMEM((BBLK_, EMBED_), jnp.float32),
            pltpu.VMEM((EMBED_ // 8, 8, BBLK_ + 1), jnp.float32),
            pltpu.VMEM((EMBED_ // 8, 8, BBLK_ + 1), jnp.float32),
            pltpu.SemaphoreType.DMA,
            pltpu.SemaphoreType.DMA,
            pltpu.SemaphoreType.DMA,
            pltpu.SemaphoreType.DMA,
        ],
    )(_emb_kernel)
    out5 = run(xq, token_table, pos_table)
    out = jnp.transpose(out5, (0, 1, 3, 2, 4)).reshape(MAXLEN_, EMBED_, BATCH_)
    return jnp.transpose(out, (2, 0, 1))

# --- scband reference (transcript-rebuilt; emitter-appended) ---
"""Pipeline reference for scband-token-and-position-embedding-10969346474248 (READ-ONLY COPY).

The authoritative reference and input builder live on the scoring server;
editing this copy changes nothing except your own understanding.
"""

import jax, jax.numpy as jnp
import numpy as np

MAXLEN = 200
VOCAB_SIZE = 100000
EMBED_DIM = 64
BATCH = 1024

def setup_inputs(seed: int = 0) -> dict:
    key = jax.random.key(seed)
    k1, k2, k3 = jax.random.split(key, 3)
    x = jax.random.randint(k1, (BATCH, MAXLEN), 0, VOCAB_SIZE, dtype=jnp.int64 if jax.config.jax_enable_x64 else jnp.int32)
    token_table = jax.random.normal(k2, (VOCAB_SIZE, EMBED_DIM), dtype=jnp.float32) * 0.05
    pos_table = jax.random.normal(k3, (MAXLEN, EMBED_DIM), dtype=jnp.float32) * 0.05
    return {"x": x, "token_table": token_table, "pos_table": pos_table}

def reference(x, token_table, pos_table):
    seq_len = x.shape[-1]
    positions = jnp.arange(seq_len)
    pos_emb = jnp.take(pos_table, positions, axis=0)          # [seq_len, embed_dim]
    tok_emb = jnp.take(token_table, x, axis=0)                # [batch, seq_len, embed_dim]
    return tok_emb + pos_emb[None, :, :]

if __name__ == "__main__":
    import jax
    _d = setup_inputs()
    print(jax.jit(kernel)(*tuple(_d.values())))

</pallas_src>

<mosaic_0001>
#map = affine_map<(d0, d1) -> (0, 0)>
#map1 = affine_map<(d0, d1) -> (0, 0, 0, 0, 0)>
module attributes {stable_mosaic.version = 14 : i64} {
  func.func @_emb_kernel(%arg0: i32, %arg1: i32, %arg2: memref<1600x128xi32, #tpu.memory_space<hbm>>, %arg3: memref<100000x64xf32, #tpu.memory_space<hbm>>, %arg4: memref<200x64xf32, #tpu.memory_space<hbm>>, %arg5: memref<200x8x8x8x128xf32, #tpu.memory_space<hbm>>, %arg6: memref<200x64xf32, #tpu.memory_space<vmem>>, %arg7: memref<50x128xi32, #tpu.memory_space<vmem>>, %arg8: memref<128x64xf32, #tpu.memory_space<vmem>>, %arg9: memref<128x64xf32, #tpu.memory_space<vmem>>, %arg10: memref<8x8x129xf32, #tpu.memory_space<vmem>>, %arg11: memref<8x8x129xf32, #tpu.memory_space<vmem>>, %arg12: memref<!tpu.dma_semaphore, #tpu.memory_space<semaphore_mem>>, %arg13: memref<!tpu.dma_semaphore, #tpu.memory_space<semaphore_mem>>, %arg14: memref<!tpu.dma_semaphore, #tpu.memory_space<semaphore_mem>>, %arg15: memref<!tpu.dma_semaphore, #tpu.memory_space<semaphore_mem>>) attributes {dimension_semantics = [#tpu.dimension_semantics<core_parallel>, #tpu.dimension_semantics<subcore_parallel>], iteration_bounds = array<i64: 2, 16>, scalar_prefetch = 0 : i64, scratch_operands = 10 : i64, tpu.core_type = #tpu.core_type<sc_vector_subcore>, window_params = [{transform_indices = #map}, {transform_indices = #map}, {transform_indices = #map}, {transform_indices = #map1}]} {
    %mul3A = arith.constant 2 : i32
    %mul3A_0 = arith.muli %arg1, %mul3A : i32
    %add3A = arith.addi %mul3A_0, %arg0 : i32
    %mul3A_1 = arith.constant 50 : i32
    %mul3A_2 = arith.muli %add3A, %mul3A_1 : i32
    "tpu.region"() ({
      %run_scoped3A = tpu.sem_alloc : memref<!tpu.dma_semaphore, #tpu.memory_space<semaphore_mem>>
      tpu.enqueue_dma source(%arg4 : memref<200x64xf32, #tpu.memory_space<hbm>>) target(%arg6 : memref<200x64xf32, #tpu.memory_space<vmem>>) target_semaphore(%run_scoped3A : memref<!tpu.dma_semaphore, #tpu.memory_space<semaphore_mem>>)
      tpu.wait_dma2 semaphore(%run_scoped3A : memref<!tpu.dma_semaphore, #tpu.memory_space<semaphore_mem>>) src(%arg4 : memref<200x64xf32, #tpu.memory_space<hbm>>) dst(%arg6 : memref<200x64xf32, #tpu.memory_space<vmem>>)
      tpu.yield
    }) : () -> ()
    "tpu.region"() ({
      %run_scoped3A = tpu.sem_alloc : memref<!tpu.dma_semaphore, #tpu.memory_space<semaphore_mem>>
      %dma_start3A_99 = arith.constant 0 : i32
      %dma_start3A_100 = tpu.memref_slice %arg2[%mul3A_2, %dma_start3A_99] : memref<1600x128xi32, #tpu.memory_space<hbm>> -> memref<50x128xi32, #tpu.memory_space<hbm>>
      %dma_start3A_101 = arith.constant 0 : i32
      %dma_start3A_102 = tpu.memref_slice %arg2[%mul3A_2, %dma_start3A_101] : memref<1600x128xi32, #tpu.memory_space<hbm>> -> memref<50x128xi32, #tpu.memory_space<hbm>>
      tpu.enqueue_dma source(%dma_start3A_102 : memref<50x128xi32, #tpu.memory_space<hbm>>) target(%arg7 : memref<50x128xi32, #tpu.memory_space<vmem>>) target_semaphore(%run_scoped3A : memref<!tpu.dma_semaphore, #tpu.memory_space<semaphore_mem>>)
      %dma_wait3A_103 = arith.constant 0 : i32
      %dma_wait3A_104 = tpu.memref_slice %arg2[%mul3A_2, %dma_wait3A_103] : memref<1600x128xi32, #tpu.memory_space<hbm>> -> memref<50x128xi32, #tpu.memory_space<hbm>>
      %dma_wait3A_105 = arith.constant 0 : i32
      %dma_wait3A_106 = tpu.memref_slice %arg2[%mul3A_2, %dma_wait3A_105] : memref<1600x128xi32, #tpu.memory_space<hbm>> -> memref<50x128xi32, #tpu.memory_space<hbm>>
      tpu.wait_dma2 semaphore(%run_scoped3A : memref<!tpu.dma_semaphore, #tpu.memory_space<semaphore_mem>>) src(%dma_wait3A_106 : memref<50x128xi32, #tpu.memory_space<hbm>>) dst(%arg7 : memref<50x128xi32, #tpu.memory_space<vmem>>)
      tpu.yield
    }) : () -> ()
    %iota3A = tpu.iota {dimensions = array<i32: 0>} : vector<16xi32>
    %add3A_3 = arith.constant 0 : i32
    %add3A_4 = vector.broadcast %add3A_3 : i32 to vector<16xi32>
    %add3A_5 = arith.addi %add3A_4, %iota3A : vector<16xi32>
    %shift_right_arithmetic3A = arith.constant 3 : i32
    %shift_right_arithmetic3A_6 = vector.broadcast %shift_right_arithmetic3A : i32 to vector<16xi32>
    %shift_right_arithmetic3A_7 = arith.shrsi %add3A_5, %shift_right_arithmetic3A_6 : vector<16xi32>
    %add3A_8 = arith.constant 16 : i32
    %add3A_9 = vector.broadcast %add3A_8 : i32 to vector<16xi32>
    %add3A_10 = arith.addi %add3A_9, %iota3A : vector<16xi32>
    %shift_right_arithmetic3A_11 = arith.constant 3 : i32
    %shift_right_arithmetic3A_12 = vector.broadcast %shift_right_arithmetic3A_11 : i32 to vector<16xi32>
    %shift_right_arithmetic3A_13 = arith.shrsi %add3A_10, %shift_right_arithmetic3A_12 : vector<16xi32>
    %add3A_14 = arith.constant 32 : i32
    %add3A_15 = vector.broadcast %add3A_14 : i32 to vector<16xi32>
    %add3A_16 = arith.addi %add3A_15, %iota3A : vector<16xi32>
    %shift_right_arithmetic3A_17 = arith.constant 3 : i32
    %shift_right_arithmetic3A_18 = vector.broadcast %shift_right_arithmetic3A_17 : i32 to vector<16xi32>
    %shift_right_arithmetic3A_19 = arith.shrsi %add3A_16, %shift_right_arithmetic3A_18 : vector<16xi32>
    %add3A_20 = arith.constant 48 : i32
    %add3A_21 = vector.broadcast %add3A_20 : i32 to vector<16xi32>
    %add3A_22 = arith.addi %add3A_21, %iota3A : vector<16xi32>
    %shift_right_arithmetic3A_23 = arith.constant 3 : i32
    %shift_right_arithmetic3A_24 = vector.broadcast %shift_right_arithmetic3A_23 : i32 to vector<16xi32>
    %shift_right_arithmetic3A_25 = arith.shrsi %add3A_22, %shift_right_arithmetic3A_24 : vector<16xi32>
    %add3A_26 = arith.constant 0 : i32
    %add3A_27 = vector.broadcast %add3A_26 : i32 to vector<16xi32>
    %add3A_28 = arith.addi %add3A_27, %iota3A : vector<16xi32>
    %and3A = arith.constant 7 : i32
    %and3A_29 = vector.broadcast %and3A : i32 to vector<16xi32>
    %and3A_30 = arith.andi %add3A_28, %and3A_29 : vector<16xi32>
    %add3A_31 = arith.constant 16 : i32
    %add3A_32 = vector.broadcast %add3A_31 : i32 to vector<16xi32>
    %add3A_33 = arith.addi %add3A_32, %iota3A : vector<16xi32>
    %and3A_34 = arith.constant 7 : i32
    %and3A_35 = vector.broadcast %and3A_34 : i32 to vector<16xi32>
    %and3A_36 = arith.andi %add3A_33, %and3A_35 : vector<16xi32>
    %add3A_37 = arith.constant 32 : i32
    %add3A_38 = vector.broadcast %add3A_37 : i32 to vector<16xi32>
    %add3A_39 = arith.addi %add3A_38, %iota3A : vector<16xi32>
    %and3A_40 = arith.constant 7 : i32
    %and3A_41 = vector.broadcast %and3A_40 : i32 to vector<16xi32>
    %and3A_42 = arith.andi %add3A_39, %and3A_41 : vector<16xi32>
    %add3A_43 = arith.constant 48 : i32
    %add3A_44 = vector.broadcast %add3A_43 : i32 to vector<16xi32>
    %add3A_45 = arith.addi %add3A_44, %iota3A : vector<16xi32>
    %and3A_46 = arith.constant 7 : i32
    %and3A_47 = vector.broadcast %and3A_46 : i32 to vector<16xi32>
    %and3A_48 = arith.andi %add3A_45, %and3A_47 : vector<16xi32>
    %dma_start3A = arith.constant 0 : i32
    %dma_start3A_49 = arith.constant 0 : i32
    %dma_start3A_50 = tpu.memref_slice %arg7[%dma_start3A, %dma_start3A_49] : memref<50x128xi32, #tpu.memory_space<vmem>> -> memref<1x128xi32, #tpu.memory_space<vmem>>
    %dma_start3A_51 = tpu.memref_squeeze %dma_start3A_50 : memref<1x128xi32, #tpu.memory_space<vmem>> -> memref<128xi32, #tpu.memory_space<vmem>>
    %dma_start3A_52 = arith.constant 0 : i32
    %dma_start3A_53 = arith.constant 0 : i32
    %dma_start3A_54 = tpu.memref_slice %arg3[%dma_start3A_52, %dma_start3A_53] : memref<100000x64xf32, #tpu.memory_space<hbm>> -> memref<100000x64xf32, #tpu.memory_space<hbm>>
    tpu.enqueue_indirect_dma source(%dma_start3A_54 : memref<100000x64xf32, #tpu.memory_space<hbm>>) target(%arg8 : memref<128x64xf32, #tpu.memory_space<vmem>>) offsets(%dma_start3A_51 : memref<128xi32, #tpu.memory_space<vmem>>) semaphore(%arg12 : memref<!tpu.dma_semaphore, #tpu.memory_space<semaphore_mem>>)
    %scan3A = arith.constant 0 : i32
    %scan3A_55 = arith.constant 0 : i32
    %scan3A_56 = arith.constant 25 : i32
    %scan3A_57 = arith.addi %scan3A_55, %scan3A_56 : i32
    %scan3A_58 = arith.constant 1 : i32
    scf.for %scan3A_99 = %scan3A_55 to %scan3A_57 step %scan3A_58  : i32 {
      %mul3A_100 = arith.constant 2 : i32
      %mul3A_101 = arith.muli %scan3A_99, %mul3A_100 : i32
      %add3A_102 = arith.constant 0 : i32
      %add3A_103 = arith.addi %mul3A_101, %add3A_102 : i32
      %add3A_104 = arith.addi %mul3A_2, %add3A_103 : i32
      %dma_wait3A_105 = arith.constant 0 : i32
      %dma_wait3A_106 = arith.constant 0 : i32
      %dma_wait3A_107 = tpu.memref_slice %arg7[%dma_wait3A_105, %dma_wait3A_106] : memref<50x128xi32, #tpu.memory_space<vmem>> -> memref<1x128xi32, #tpu.memory_space<vmem>>
      %dma_wait3A_108 = tpu.memref_squeeze %dma_wait3A_107 : memref<1x128xi32, #tpu.memory_space<vmem>> -> memref<128xi32, #tpu.memory_space<vmem>>
      %dma_wait3A_109 = arith.constant 0 : i32
      %dma_wait3A_110 = arith.constant 0 : i32
      %dma_wait3A_111 = tpu.memref_slice %arg3[%dma_wait3A_109, %dma_wait3A_110] : memref<100000x64xf32, #tpu.memory_space<hbm>> -> memref<100000x64xf32, #tpu.memory_space<hbm>>
      tpu.wait_indirect_dma semaphore(%arg12 : memref<!tpu.dma_semaphore, #tpu.memory_space<semaphore_mem>>) src(%dma_wait3A_111 : memref<100000x64xf32, #tpu.memory_space<hbm>>) dst(%arg8 : memref<128x64xf32, #tpu.memory_space<vmem>>)
      %add3A_112 = arith.constant 1 : i32
      %add3A_113 = arith.addi %add3A_103, %add3A_112 : i32
      %lt3A = arith.constant 50 : i32
      %lt3A_114 = arith.cmpi slt, %add3A_113, %lt3A : i32
      %convert_element_type3A = arith.extui %lt3A_114 : i1 to i32
      %cond3A = arith.constant 0 : i32
      %cond3A_115 = arith.cmpi ne, %convert_element_type3A, %cond3A : i32
      scf.if %cond3A_115 {
        %add3A_255 = arith.constant 1 : i32
        %add3A_256 = arith.addi %add3A_103, %add3A_255 : i32
        %dma_start3A_257 = arith.constant 0 : i32
        %dma_start3A_258 = tpu.memref_slice %arg7[%add3A_256, %dma_start3A_257] : memref<50x128xi32, #tpu.memory_space<vmem>> -> memref<1x128xi32, #tpu.memory_space<vmem>>
        %dma_start3A_259 = tpu.memref_squeeze %dma_start3A_258 : memref<1x128xi32, #tpu.memory_space<vmem>> -> memref<128xi32, #tpu.memory_space<vmem>>
        %dma_start3A_260 = arith.constant 0 : i32
        %dma_start3A_261 = arith.constant 0 : i32
        %dma_start3A_262 = tpu.memref_slice %arg3[%dma_start3A_260, %dma_start3A_261] : memref<100000x64xf32, #tpu.memory_space<hbm>> -> memref<100000x64xf32, #tpu.memory_space<hbm>>
        tpu.enqueue_indirect_dma source(%dma_start3A_262 : memref<100000x64xf32, #tpu.memory_space<hbm>>) target(%arg9 : memref<128x64xf32, #tpu.memory_space<vmem>>) offsets(%dma_start3A_259 : memref<128xi32, #tpu.memory_space<vmem>>) semaphore(%arg13 : memref<!tpu.dma_semaphore, #tpu.memory_space<semaphore_mem>>)
      } else {
      }
      %ge3A = arith.constant 2 : i32
      %ge3A_116 = arith.cmpi sge, %add3A_103, %ge3A : i32
      %convert_element_type3A_117 = arith.extui %ge3A_116 : i1 to i32
      %cond3A_118 = arith.constant 0 : i32
      %cond3A_119 = arith.cmpi ne, %convert_element_type3A_117, %cond3A_118 : i32
      scf.if %cond3A_119 {
        %dma_wait3A_255 = arith.constant 0 : i32
        %dma_wait3A_256 = arith.constant 0 : i32
        %dma_wait3A_257 = arith.constant 0 : i32
        %dma_wait3A_258 = arith.constant 0 : i32
        %dma_wait3A_259 = arith.constant 0 : i32
        %dma_wait3A_260 = tpu.memref_slice %arg10[%dma_wait3A_257, %dma_wait3A_258, %dma_wait3A_259] : memref<8x8x129xf32, #tpu.memory_space<vmem>> -> memref<8x8x128xf32, #tpu.memory_space<vmem>>
        %dma_wait3A_261 = arith.constant 0 : i32
        %dma_wait3A_262 = arith.constant 0 : i32
        %dma_wait3A_263 = arith.constant 0 : i32
        %dma_wait3A_264 = tpu.memref_slice %arg5[%dma_wait3A_255, %dma_wait3A_261, %dma_wait3A_256, %dma_wait3A_262, %dma_wait3A_263] : memref<200x8x8x8x128xf32, #tpu.memory_space<hbm>> -> memref<1x8x1x8x128xf32, #tpu.memory_space<hbm>>
        %dma_wait3A_265 = tpu.memref_squeeze %dma_wait3A_264 : memref<1x8x1x8x128xf32, #tpu.memory_space<hbm>> -> memref<8x8x128xf32, #tpu.memory_space<hbm>>
        %dma_wait3A_266 = arith.constant 0 : i32
        %dma_wait3A_267 = arith.constant 0 : i32
        %dma_wait3A_268 = arith.constant 0 : i32
        %dma_wait3A_269 = tpu.memref_slice %arg5[%dma_wait3A_255, %dma_wait3A_266, %dma_wait3A_256, %dma_wait3A_267, %dma_wait3A_268] : memref<200x8x8x8x128xf32, #tpu.memory_space<hbm>> -> memref<1x8x1x8x128xf32, #tpu.memory_space<hbm>>
        %dma_wait3A_270 = tpu.memref_squeeze %dma_wait3A_269 : memref<1x8x1x8x128xf32, #tpu.memory_space<hbm>> -> memref<8x8x128xf32, #tpu.memory_space<hbm>>
        %dma_wait3A_271 = arith.constant 0 : i32
        %dma_wait3A_272 = arith.constant 0 : i32
        %dma_wait3A_273 = arith.constant 0 : i32
        %dma_wait3A_274 = tpu.memref_slice %arg10[%dma_wait3A_271, %dma_wait3A_272, %dma_wait3A_273] : memref<8x8x129xf32, #tpu.memory_space<vmem>> -> memref<8x8x128xf32, #tpu.memory_space<vmem>>
        tpu.wait_dma2 semaphore(%arg14 : memref<!tpu.dma_semaphore, #tpu.memory_space<semaphore_mem>>) src(%dma_wait3A_274 : memref<8x8x128xf32, #tpu.memory_space<vmem>>) dst(%dma_wait3A_270 : memref<8x8x128xf32, #tpu.memory_space<hbm>>)
      } else {
      }
      %shift_right_arithmetic3A_120 = arith.constant 6 : i32
      %shift_right_arithmetic3A_121 = arith.shrsi %add3A_104, %shift_right_arithmetic3A_120 : i32
      %shift_left3A = arith.constant 3 : i32
      %shift_left3A_122 = arith.shli %shift_right_arithmetic3A_121, %shift_left3A : i32
      %and3A_123 = arith.constant 7 : i32
      %and3A_124 = arith.andi %add3A_104, %and3A_123 : i32
      %or3A = arith.ori %shift_left3A_122, %and3A_124 : i32
      %shift_right_arithmetic3A_125 = arith.constant 3 : i32
      %shift_right_arithmetic3A_126 = arith.shrsi %add3A_104, %shift_right_arithmetic3A_125 : i32
      %and3A_127 = arith.constant 7 : i32
      %and3A_128 = arith.andi %shift_right_arithmetic3A_126, %and3A_127 : i32
      %get3A = arith.index_cast %or3A : i32 to index
      %get3A_129 = arith.constant 0 : index
      %get3A_130 = tpu.vector_load %arg6[%get3A, %get3A_129] {strides = array<i32>} : memref<200x64xf32, #tpu.memory_space<vmem>>, vector<16xf32>,
      %get3A_131 = arith.index_cast %or3A : i32 to index
      %get3A_132 = arith.constant 16 : index
      %get3A_133 = tpu.vector_load %arg6[%get3A_131, %get3A_132] {strides = array<i32>} : memref<200x64xf32, #tpu.memory_space<vmem>>, vector<16xf32>,
      %get3A_134 = arith.index_cast %or3A : i32 to index
      %get3A_135 = arith.constant 32 : index
      %get3A_136 = tpu.vector_load %arg6[%get3A_134, %get3A_135] {strides = array<i32>} : memref<200x64xf32, #tpu.memory_space<vmem>>, vector<16xf32>,
      %get3A_137 = arith.index_cast %or3A : i32 to index
      %get3A_138 = arith.constant 48 : index
      %get3A_139 = tpu.vector_load %arg6[%get3A_137, %get3A_138] {strides = array<i32>} : memref<200x64xf32, #tpu.memory_space<vmem>>, vector<16xf32>,
      %broadcast_in_dim3A = arith.constant 0 : i32
      %broadcast_in_dim3A_140 = vector.broadcast %broadcast_in_dim3A : i32 to vector<16xi32>
      %parallel_loop3A = arith.constant 0 : i32
      %parallel_loop3A_141 = arith.constant 128 : i32
      %parallel_loop3A_142 = arith.constant 1 : i32
      %parallel_loop3A_143 = scf.for %parallel_loop3A_255 = %parallel_loop3A to %parallel_loop3A_141 step %parallel_loop3A_142 iter_args(%parallel_loop3A_256 = %broadcast_in_dim3A_140) -> (vector<16xi32>)  : i32 {
        %parallel_loop3A_257 = arith.index_cast %parallel_loop3A_255 : i32 to index
        %parallel_loop3A_258 = arith.constant 0 : index
        %parallel_loop3A_259 = tpu.vector_load %arg8[%parallel_loop3A_257, %parallel_loop3A_258] {strides = array<i32>} : memref<128x64xf32, #tpu.memory_space<vmem>>, vector<16xf32>,
        %parallel_loop3A_260 = arith.addf %parallel_loop3A_259, %get3A_130 : vector<16xf32>
        tpu.vector_store_idx %arg10[%shift_right_arithmetic3A_7, %and3A_30, %parallel_loop3A_256], %parallel_loop3A_260 : memref<8x8x129xf32, #tpu.memory_space<vmem>>[vector<16xi32>, vector<16xi32>, vector<16xi32>], vector<16xf32>,
        %parallel_loop3A_261 = arith.index_cast %parallel_loop3A_255 : i32 to index
        %parallel_loop3A_262 = arith.constant 16 : index
        %parallel_loop3A_263 = tpu.vector_load %arg8[%parallel_loop3A_261, %parallel_loop3A_262] {strides = array<i32>} : memref<128x64xf32, #tpu.memory_space<vmem>>, vector<16xf32>,
        %parallel_loop3A_264 = arith.addf %parallel_loop3A_263, %get3A_133 : vector<16xf32>
        tpu.vector_store_idx %arg10[%shift_right_arithmetic3A_13, %and3A_36, %parallel_loop3A_256], %parallel_loop3A_264 : memref<8x8x129xf32, #tpu.memory_space<vmem>>[vector<16xi32>, vector<16xi32>, vector<16xi32>], vector<16xf32>,
        %parallel_loop3A_265 = arith.index_cast %parallel_loop3A_255 : i32 to index
        %parallel_loop3A_266 = arith.constant 32 : index
        %parallel_loop3A_267 = tpu.vector_load %arg8[%parallel_loop3A_265, %parallel_loop3A_266] {strides = array<i32>} : memref<128x64xf32, #tpu.memory_space<vmem>>, vector<16xf32>,
        %parallel_loop3A_268 = arith.addf %parallel_loop3A_267, %get3A_136 : vector<16xf32>
        tpu.vector_store_idx %arg10[%shift_right_arithmetic3A_19, %and3A_42, %parallel_loop3A_256], %parallel_loop3A_268 : memref<8x8x129xf32, #tpu.memory_space<vmem>>[vector<16xi32>, vector<16xi32>, vector<16xi32>], vector<16xf32>,
        %parallel_loop3A_269 = arith.index_cast %parallel_loop3A_255 : i32 to index
        %parallel_loop3A_270 = arith.constant 48 : index
        %parallel_loop3A_271 = tpu.vector_load %arg8[%parallel_loop3A_269, %parallel_loop3A_270] {strides = array<i32>} : memref<128x64xf32, #tpu.memory_space<vmem>>, vector<16xf32>,
        %parallel_loop3A_272 = arith.addf %parallel_loop3A_271, %get3A_139 : vector<16xf32>
        tpu.vector_store_idx %arg10[%shift_right_arithmetic3A_25, %and3A_48, %parallel_loop3A_256], %parallel_loop3A_272 : memref<8x8x129xf32, #tpu.memory_space<vmem>>[vector<16xi32>, vector<16xi32>, vector<16xi32>], vector<16xf32>,
        %parallel_loop3A_273 = arith.constant 1 : i32
        %parallel_loop3A_274 = vector.broadcast %parallel_loop3A_273 : i32 to vector<16xi32>
        %parallel_loop3A_275 = arith.addi %parallel_loop3A_256, %parallel_loop3A_274 : vector<16xi32>
        scf.yield %parallel_loop3A_275 : vector<16xi32>
      } {sc.loop_unroll_factor = 4 : i64, sc.parallel_access}
      %shift_right_arithmetic3A_144 = arith.constant 6 : i32
      %shift_right_arithmetic3A_145 = arith.shrsi %add3A_104, %shift_right_arithmetic3A_144 : i32
      %shift_left3A_146 = arith.constant 3 : i32
      %shift_left3A_147 = arith.shli %shift_right_arithmetic3A_145, %shift_left3A_146 : i32
      %and3A_148 = arith.constant 7 : i32
      %and3A_149 = arith.andi %add3A_104, %and3A_148 : i32
      %or3A_150 = arith.ori %shift_left3A_147, %and3A_149 : i32
      %shift_right_arithmetic3A_151 = arith.constant 3 : i32
      %shift_right_arithmetic3A_152 = arith.shrsi %add3A_104, %shift_right_arithmetic3A_151 : i32
      %and3A_153 = arith.constant 7 : i32
      %and3A_154 = arith.andi %shift_right_arithmetic3A_152, %and3A_153 : i32
      %dma_start3A_155 = arith.constant 0 : i32
      %dma_start3A_156 = arith.constant 0 : i32
      %dma_start3A_157 = arith.constant 0 : i32
      %dma_start3A_158 = tpu.memref_slice %arg10[%dma_start3A_155, %dma_start3A_156, %dma_start3A_157] : memref<8x8x129xf32, #tpu.memory_space<vmem>> -> memref<8x8x128xf32, #tpu.memory_space<vmem>>
      %dma_start3A_159 = arith.constant 0 : i32
      %dma_start3A_160 = arith.constant 0 : i32
      %dma_start3A_161 = arith.constant 0 : i32
      %dma_start3A_162 = tpu.memref_slice %arg5[%or3A_150, %dma_start3A_159, %and3A_154, %dma_start3A_160, %dma_start3A_161] : memref<200x8x8x8x128xf32, #tpu.memory_space<hbm>> -> memref<1x8x1x8x128xf32, #tpu.memory_space<hbm>>
      %dma_start3A_163 = tpu.memref_squeeze %dma_start3A_162 : memref<1x8x1x8x128xf32, #tpu.memory_space<hbm>> -> memref<8x8x128xf32, #tpu.memory_space<hbm>>
      %dma_start3A_164 = arith.constant 0 : i32
      %dma_start3A_165 = arith.constant 0 : i32
      %dma_start3A_166 = arith.constant 0 : i32
      %dma_start3A_167 = tpu.memref_slice %arg5[%or3A_150, %dma_start3A_164, %and3A_154, %dma_start3A_165, %dma_start3A_166] : memref<200x8x8x8x128xf32, #tpu.memory_space<hbm>> -> memref<1x8x1x8x128xf32, #tpu.memory_space<hbm>>
      %dma_start3A_168 = tpu.memref_squeeze %dma_start3A_167 : memref<1x8x1x8x128xf32, #tpu.memory_space<hbm>> -> memref<8x8x128xf32, #tpu.memory_space<hbm>>
      %dma_start3A_169 = arith.constant 0 : i32
      %dma_start3A_170 = arith.constant 0 : i32
      %dma_start3A_171 = arith.constant 0 : i32
      %dma_start3A_172 = tpu.memref_slice %arg10[%dma_start3A_169, %dma_start3A_170, %dma_start3A_171] : memref<8x8x129xf32, #tpu.memory_space<vmem>> -> memref<8x8x128xf32, #tpu.memory_space<vmem>>
      tpu.enqueue_dma source(%dma_start3A_172 : memref<8x8x128xf32, #tpu.memory_space<vmem>>) target(%dma_start3A_168 : memref<8x8x128xf32, #tpu.memory_space<hbm>>) target_semaphore(%arg14 : memref<!tpu.dma_semaphore, #tpu.memory_space<semaphore_mem>>)
      %mul3A_173 = arith.constant 2 : i32
      %mul3A_174 = arith.muli %scan3A_99, %mul3A_173 : i32
      %add3A_175 = arith.constant 1 : i32
      %add3A_176 = arith.addi %mul3A_174, %add3A_175 : i32
      %add3A_177 = arith.addi %mul3A_2, %add3A_176 : i32
      %dma_wait3A_178 = arith.constant 0 : i32
      %dma_wait3A_179 = arith.constant 0 : i32
      %dma_wait3A_180 = tpu.memref_slice %arg7[%dma_wait3A_178, %dma_wait3A_179] : memref<50x128xi32, #tpu.memory_space<vmem>> -> memref<1x128xi32, #tpu.memory_space<vmem>>
      %dma_wait3A_181 = tpu.memref_squeeze %dma_wait3A_180 : memref<1x128xi32, #tpu.memory_space<vmem>> -> memref<128xi32, #tpu.memory_space<vmem>>
      %dma_wait3A_182 = arith.constant 0 : i32
      %dma_wait3A_183 = arith.constant 0 : i32
      %dma_wait3A_184 = tpu.memref_slice %arg3[%dma_wait3A_182, %dma_wait3A_183] : memref<100000x64xf32, #tpu.memory_space<hbm>> -> memref<100000x64xf32, #tpu.memory_space<hbm>>
      tpu.wait_indirect_dma semaphore(%arg13 : memref<!tpu.dma_semaphore, #tpu.memory_space<semaphore_mem>>) src(%dma_wait3A_184 : memref<100000x64xf32, #tpu.memory_space<hbm>>) dst(%arg9 : memref<128x64xf32, #tpu.memory_space<vmem>>)
      %add3A_185 = arith.constant 1 : i32
      %add3A_186 = arith.addi %add3A_176, %add3A_185 : i32
      %lt3A_187 = arith.constant 50 : i32
      %lt3A_188 = arith.cmpi slt, %add3A_186, %lt3A_187 : i32
      %convert_element_type3A_189 = arith.extui %lt3A_188 : i1 to i32
      %cond3A_190 = arith.constant 0 : i32
      %cond3A_191 = arith.cmpi ne, %convert_element_type3A_189, %cond3A_190 : i32
      scf.if %cond3A_191 {
        %add3A_255 = arith.constant 1 : i32
        %add3A_256 = arith.addi %add3A_176, %add3A_255 : i32
        %dma_start3A_257 = arith.constant 0 : i32
        %dma_start3A_258 = tpu.memref_slice %arg7[%add3A_256, %dma_start3A_257] : memref<50x128xi32, #tpu.memory_space<vmem>> -> memref<1x128xi32, #tpu.memory_space<vmem>>
        %dma_start3A_259 = tpu.memref_squeeze %dma_start3A_258 : memref<1x128xi32, #tpu.memory_space<vmem>> -> memref<128xi32, #tpu.memory_space<vmem>>
        %dma_start3A_260 = arith.constant 0 : i32
        %dma_start3A_261 = arith.constant 0 : i32
        %dma_start3A_262 = tpu.memref_slice %arg3[%dma_start3A_260, %dma_start3A_261] : memref<100000x64xf32, #tpu.memory_space<hbm>> -> memref<100000x64xf32, #tpu.memory_space<hbm>>
        tpu.enqueue_indirect_dma source(%dma_start3A_262 : memref<100000x64xf32, #tpu.memory_space<hbm>>) target(%arg8 : memref<128x64xf32, #tpu.memory_space<vmem>>) offsets(%dma_start3A_259 : memref<128xi32, #tpu.memory_space<vmem>>) semaphore(%arg12 : memref<!tpu.dma_semaphore, #tpu.memory_space<semaphore_mem>>)
      } else {
      }
      %ge3A_192 = arith.constant 2 : i32
      %ge3A_193 = arith.cmpi sge, %add3A_176, %ge3A_192 : i32
      %convert_element_type3A_194 = arith.extui %ge3A_193 : i1 to i32
      %cond3A_195 = arith.constant 0 : i32
      %cond3A_196 = arith.cmpi ne, %convert_element_type3A_194, %cond3A_195 : i32
      scf.if %cond3A_196 {
        %dma_wait3A_255 = arith.constant 0 : i32
        %dma_wait3A_256 = arith.constant 0 : i32
        %dma_wait3A_257 = arith.constant 0 : i32
        %dma_wait3A_258 = arith.constant 0 : i32
        %dma_wait3A_259 = arith.constant 0 : i32
        %dma_wait3A_260 = tpu.memref_slice %arg11[%dma_wait3A_257, %dma_wait3A_258, %dma_wait3A_259] : memref<8x8x129xf32, #tpu.memory_space<vmem>> -> memref<8x8x128xf32, #tpu.memory_space<vmem>>
        %dma_wait3A_261 = arith.constant 0 : i32
        %dma_wait3A_262 = arith.constant 0 : i32
        %dma_wait3A_263 = arith.constant 0 : i32
        %dma_wait3A_264 = tpu.memref_slice %arg5[%dma_wait3A_255, %dma_wait3A_261, %dma_wait3A_256, %dma_wait3A_262, %dma_wait3A_263] : memref<200x8x8x8x128xf32, #tpu.memory_space<hbm>> -> memref<1x8x1x8x128xf32, #tpu.memory_space<hbm>>
        %dma_wait3A_265 = tpu.memref_squeeze %dma_wait3A_264 : memref<1x8x1x8x128xf32, #tpu.memory_space<hbm>> -> memref<8x8x128xf32, #tpu.memory_space<hbm>>
        %dma_wait3A_266 = arith.constant 0 : i32
        %dma_wait3A_267 = arith.constant 0 : i32
        %dma_wait3A_268 = arith.constant 0 : i32
        %dma_wait3A_269 = tpu.memref_slice %arg5[%dma_wait3A_255, %dma_wait3A_266, %dma_wait3A_256, %dma_wait3A_267, %dma_wait3A_268] : memref<200x8x8x8x128xf32, #tpu.memory_space<hbm>> -> memref<1x8x1x8x128xf32, #tpu.memory_space<hbm>>
        %dma_wait3A_270 = tpu.memref_squeeze %dma_wait3A_269 : memref<1x8x1x8x128xf32, #tpu.memory_space<hbm>> -> memref<8x8x128xf32, #tpu.memory_space<hbm>>
        %dma_wait3A_271 = arith.constant 0 : i32
        %dma_wait3A_272 = arith.constant 0 : i32
        %dma_wait3A_273 = arith.constant 0 : i32
        %dma_wait3A_274 = tpu.memref_slice %arg11[%dma_wait3A_271, %dma_wait3A_272, %dma_wait3A_273] : memref<8x8x129xf32, #tpu.memory_space<vmem>> -> memref<8x8x128xf32, #tpu.memory_space<vmem>>
        tpu.wait_dma2 semaphore(%arg15 : memref<!tpu.dma_semaphore, #tpu.memory_space<semaphore_mem>>) src(%dma_wait3A_274 : memref<8x8x128xf32, #tpu.memory_space<vmem>>) dst(%dma_wait3A_270 : memref<8x8x128xf32, #tpu.memory_space<hbm>>)
      } else {
      }
      %shift_right_arithmetic3A_197 = arith.constant 6 : i32
      %shift_right_arithmetic3A_198 = arith.shrsi %add3A_177, %shift_right_arithmetic3A_197 : i32
      %shift_left3A_199 = arith.constant 3 : i32
      %shift_left3A_200 = arith.shli %shift_right_arithmetic3A_198, %shift_left3A_199 : i32
      %and3A_201 = arith.constant 7 : i32
      %and3A_202 = arith.andi %add3A_177, %and3A_201 : i32
      %or3A_203 = arith.ori %shift_left3A_200, %and3A_202 : i32
      %shift_right_arithmetic3A_204 = arith.constant 3 : i32
      %shift_right_arithmetic3A_205 = arith.shrsi %add3A_177, %shift_right_arithmetic3A_204 : i32
      %and3A_206 = arith.constant 7 : i32
      %and3A_207 = arith.andi %shift_right_arithmetic3A_205, %and3A_206 : i32
      %get3A_208 = arith.index_cast %or3A_203 : i32 to index
      %get3A_209 = arith.constant 0 : index
      %get3A_210 = tpu.vector_load %arg6[%get3A_208, %get3A_209] {strides = array<i32>} : memref<200x64xf32, #tpu.memory_space<vmem>>, vector<16xf32>,
      %get3A_211 = arith.index_cast %or3A_203 : i32 to index
      %get3A_212 = arith.constant 16 : index
      %get3A_213 = tpu.vector_load %arg6[%get3A_211, %get3A_212] {strides = array<i32>} : memref<200x64xf32, #tpu.memory_space<vmem>>, vector<16xf32>,
      %get3A_214 = arith.index_cast %or3A_203 : i32 to index
      %get3A_215 = arith.constant 32 : index
      %get3A_216 = tpu.vector_load %arg6[%get3A_214, %get3A_215] {strides = array<i32>} : memref<200x64xf32, #tpu.memory_space<vmem>>, vector<16xf32>,
      %get3A_217 = arith.index_cast %or3A_203 : i32 to index
      %get3A_218 = arith.constant 48 : index
      %get3A_219 = tpu.vector_load %arg6[%get3A_217, %get3A_218] {strides = array<i32>} : memref<200x64xf32, #tpu.memory_space<vmem>>, vector<16xf32>,
      %broadcast_in_dim3A_220 = arith.constant 0 : i32
      %broadcast_in_dim3A_221 = vector.broadcast %broadcast_in_dim3A_220 : i32 to vector<16xi32>
      %parallel_loop3A_222 = arith.constant 0 : i32
      %parallel_loop3A_223 = arith.constant 128 : i32
      %parallel_loop3A_224 = arith.constant 1 : i32
      %parallel_loop3A_225 = scf.for %parallel_loop3A_255 = %parallel_loop3A_222 to %parallel_loop3A_223 step %parallel_loop3A_224 iter_args(%parallel_loop3A_256 = %broadcast_in_dim3A_221) -> (vector<16xi32>)  : i32 {
        %parallel_loop3A_257 = arith.index_cast %parallel_loop3A_255 : i32 to index
        %parallel_loop3A_258 = arith.constant 0 : index
        %parallel_loop3A_259 = tpu.vector_load %arg9[%parallel_loop3A_257, %parallel_loop3A_258] {strides = array<i32>} : memref<128x64xf32, #tpu.memory_space<vmem>>, vector<16xf32>,
        %parallel_loop3A_260 = arith.addf %parallel_loop3A_259, %get3A_210 : vector<16xf32>
        tpu.vector_store_idx %arg11[%shift_right_arithmetic3A_7, %and3A_30, %parallel_loop3A_256], %parallel_loop3A_260 : memref<8x8x129xf32, #tpu.memory_space<vmem>>[vector<16xi32>, vector<16xi32>, vector<16xi32>], vector<16xf32>,
        %parallel_loop3A_261 = arith.index_cast %parallel_loop3A_255 : i32 to index
        %parallel_loop3A_262 = arith.constant 16 : index
        %parallel_loop3A_263 = tpu.vector_load %arg9[%parallel_loop3A_261, %parallel_loop3A_262] {strides = array<i32>} : memref<128x64xf32, #tpu.memory_space<vmem>>, vector<16xf32>,
        %parallel_loop3A_264 = arith.addf %parallel_loop3A_263, %get3A_213 : vector<16xf32>
        tpu.vector_store_idx %arg11[%shift_right_arithmetic3A_13, %and3A_36, %parallel_loop3A_256], %parallel_loop3A_264 : memref<8x8x129xf32, #tpu.memory_space<vmem>>[vector<16xi32>, vector<16xi32>, vector<16xi32>], vector<16xf32>,
        %parallel_loop3A_265 = arith.index_cast %parallel_loop3A_255 : i32 to index
        %parallel_loop3A_266 = arith.constant 32 : index
        %parallel_loop3A_267 = tpu.vector_load %arg9[%parallel_loop3A_265, %parallel_loop3A_266] {strides = array<i32>} : memref<128x64xf32, #tpu.memory_space<vmem>>, vector<16xf32>,
        %parallel_loop3A_268 = arith.addf %parallel_loop3A_267, %get3A_216 : vector<16xf32>
        tpu.vector_store_idx %arg11[%shift_right_arithmetic3A_19, %and3A_42, %parallel_loop3A_256], %parallel_loop3A_268 : memref<8x8x129xf32, #tpu.memory_space<vmem>>[vector<16xi32>, vector<16xi32>, vector<16xi32>], vector<16xf32>,
        %parallel_loop3A_269 = arith.index_cast %parallel_loop3A_255 : i32 to index
        %parallel_loop3A_270 = arith.constant 48 : index
        %parallel_loop3A_271 = tpu.vector_load %arg9[%parallel_loop3A_269, %parallel_loop3A_270] {strides = array<i32>} : memref<128x64xf32, #tpu.memory_space<vmem>>, vector<16xf32>,
        %parallel_loop3A_272 = arith.addf %parallel_loop3A_271, %get3A_219 : vector<16xf32>
        tpu.vector_store_idx %arg11[%shift_right_arithmetic3A_25, %and3A_48, %parallel_loop3A_256], %parallel_loop3A_272 : memref<8x8x129xf32, #tpu.memory_space<vmem>>[vector<16xi32>, vector<16xi32>, vector<16xi32>], vector<16xf32>,
        %parallel_loop3A_273 = arith.constant 1 : i32
        %parallel_loop3A_274 = vector.broadcast %parallel_loop3A_273 : i32 to vector<16xi32>
        %parallel_loop3A_275 = arith.addi %parallel_loop3A_256, %parallel_loop3A_274 : vector<16xi32>
        scf.yield %parallel_loop3A_275 : vector<16xi32>
      } {sc.loop_unroll_factor = 4 : i64, sc.parallel_access}
      %shift_right_arithmetic3A_226 = arith.constant 6 : i32
      %shift_right_arithmetic3A_227 = arith.shrsi %add3A_177, %shift_right_arithmetic3A_226 : i32
      %shift_left3A_228 = arith.constant 3 : i32
      %shift_left3A_229 = arith.shli %shift_right_arithmetic3A_227, %shift_left3A_228 : i32
      %and3A_230 = arith.constant 7 : i32
      %and3A_231 = arith.andi %add3A_177, %and3A_230 : i32
      %or3A_232 = arith.ori %shift_left3A_229, %and3A_231 : i32
      %shift_right_arithmetic3A_233 = arith.constant 3 : i32
      %shift_right_arithmetic3A_234 = arith.shrsi %add3A_177, %shift_right_arithmetic3A_233 : i32
      %and3A_235 = arith.constant 7 : i32
      %and3A_236 = arith.andi %shift_right_arithmetic3A_234, %and3A_235 : i32
      %dma_start3A_237 = arith.constant 0 : i32
      %dma_start3A_238 = arith.constant 0 : i32
      %dma_start3A_239 = arith.constant 0 : i32
      %dma_start3A_240 = tpu.memref_slice %arg11[%dma_start3A_237, %dma_start3A_238, %dma_start3A_239] : memref<8x8x129xf32, #tpu.memory_space<vmem>> -> memref<8x8x128xf32, #tpu.memory_space<vmem>>
      %dma_start3A_241 = arith.constant 0 : i32
      %dma_start3A_242 = arith.constant 0 : i32
      %dma_start3A_243 = arith.constant 0 : i32
      %dma_start3A_244 = tpu.memref_slice %arg5[%or3A_232, %dma_start3A_241, %and3A_236, %dma_start3A_242, %dma_start3A_243] : memref<200x8x8x8x128xf32, #tpu.memory_space<hbm>> -> memref<1x8x1x8x128xf32, #tpu.memory_space<hbm>>
      %dma_start3A_245 = tpu.memref_squeeze %dma_start3A_244 : memref<1x8x1x8x128xf32, #tpu.memory_space<hbm>> -> memref<8x8x128xf32, #tpu.memory_space<hbm>>
      %dma_start3A_246 = arith.constant 0 : i32
      %dma_start3A_247 = arith.constant 0 : i32
      %dma_start3A_248 = arith.constant 0 : i32
      %dma_start3A_249 = tpu.memref_slice %arg5[%or3A_232, %dma_start3A_246, %and3A_236, %dma_start3A_247, %dma_start3A_248] : memref<200x8x8x8x128xf32, #tpu.memory_space<hbm>> -> memref<1x8x1x8x128xf32, #tpu.memory_space<hbm>>
      %dma_start3A_250 = tpu.memref_squeeze %dma_start3A_249 : memref<1x8x1x8x128xf32, #tpu.memory_space<hbm>> -> memref<8x8x128xf32, #tpu.memory_space<hbm>>
      %dma_start3A_251 = arith.constant 0 : i32
      %dma_start3A_252 = arith.constant 0 : i32
      %dma_start3A_253 = arith.constant 0 : i32
      %dma_start3A_254 = tpu.memref_slice %arg11[%dma_start3A_251, %dma_start3A_252, %dma_start3A_253] : memref<8x8x129xf32, #tpu.memory_space<vmem>> -> memref<8x8x128xf32, #tpu.memory_space<vmem>>
      tpu.enqueue_dma source(%dma_start3A_254 : memref<8x8x128xf32, #tpu.memory_space<vmem>>) target(%dma_start3A_250 : memref<8x8x128xf32, #tpu.memory_space<hbm>>) target_semaphore(%arg15 : memref<!tpu.dma_semaphore, #tpu.memory_space<semaphore_mem>>)
    }
    %scan3A_59 = arith.constant 25 : i32
    %dma_wait3A = arith.constant 0 : i32
    %dma_wait3A_60 = arith.constant 0 : i32
    %dma_wait3A_61 = arith.constant 0 : i32
    %dma_wait3A_62 = arith.constant 0 : i32
    %dma_wait3A_63 = arith.constant 0 : i32
    %dma_wait3A_64 = tpu.memref_slice %arg10[%dma_wait3A_61, %dma_wait3A_62, %dma_wait3A_63] : memref<8x8x129xf32, #tpu.memory_space<vmem>> -> memref<8x8x128xf32, #tpu.memory_space<vmem>>
    %dma_wait3A_65 = arith.constant 0 : i32
    %dma_wait3A_66 = arith.constant 0 : i32
    %dma_wait3A_67 = arith.constant 0 : i32
    %dma_wait3A_68 = tpu.memref_slice %arg5[%dma_wait3A, %dma_wait3A_65, %dma_wait3A_60, %dma_wait3A_66, %dma_wait3A_67] : memref<200x8x8x8x128xf32, #tpu.memory_space<hbm>> -> memref<1x8x1x8x128xf32, #tpu.memory_space<hbm>>
    %dma_wait3A_69 = tpu.memref_squeeze %dma_wait3A_68 : memref<1x8x1x8x128xf32, #tpu.memory_space<hbm>> -> memref<8x8x128xf32, #tpu.memory_space<hbm>>
    %dma_wait3A_70 = arith.constant 0 : i32
    %dma_wait3A_71 = arith.constant 0 : i32
    %dma_wait3A_72 = arith.constant 0 : i32
    %dma_wait3A_73 = tpu.memref_slice %arg5[%dma_wait3A, %dma_wait3A_70, %dma_wait3A_60, %dma_wait3A_71, %dma_wait3A_72] : memref<200x8x8x8x128xf32, #tpu.memory_space<hbm>> -> memref<1x8x1x8x128xf32, #tpu.memory_space<hbm>>
    %dma_wait3A_74 = tpu.memref_squeeze %dma_wait3A_73 : memref<1x8x1x8x128xf32, #tpu.memory_space<hbm>> -> memref<8x8x128xf32, #tpu.memory_space<hbm>>
    %dma_wait3A_75 = arith.constant 0 : i32
    %dma_wait3A_76 = arith.constant 0 : i32
    %dma_wait3A_77 = arith.constant 0 : i32
    %dma_wait3A_78 = tpu.memref_slice %arg10[%dma_wait3A_75, %dma_wait3A_76, %dma_wait3A_77] : memref<8x8x129xf32, #tpu.memory_space<vmem>> -> memref<8x8x128xf32, #tpu.memory_space<vmem>>
    tpu.wait_dma2 semaphore(%arg14 : memref<!tpu.dma_semaphore, #tpu.memory_space<semaphore_mem>>) src(%dma_wait3A_78 : memref<8x8x128xf32, #tpu.memory_space<vmem>>) dst(%dma_wait3A_74 : memref<8x8x128xf32, #tpu.memory_space<hbm>>)
    %dma_wait3A_79 = arith.constant 0 : i32
    %dma_wait3A_80 = arith.constant 0 : i32
    %dma_wait3A_81 = arith.constant 0 : i32
    %dma_wait3A_82 = arith.constant 0 : i32
    %dma_wait3A_83 = arith.constant 0 : i32
    %dma_wait3A_84 = tpu.memref_slice %arg11[%dma_wait3A_81, %dma_wait3A_82, %dma_wait3A_83] : memref<8x8x129xf32, #tpu.memory_space<vmem>> -> memref<8x8x128xf32, #tpu.memory_space<vmem>>
    %dma_wait3A_85 = arith.constant 0 : i32
    %dma_wait3A_86 = arith.constant 0 : i32
    %dma_wait3A_87 = arith.constant 0 : i32
    %dma_wait3A_88 = tpu.memref_slice %arg5[%dma_wait3A_79, %dma_wait3A_85, %dma_wait3A_80, %dma_wait3A_86, %dma_wait3A_87] : memref<200x8x8x8x128xf32, #tpu.memory_space<hbm>> -> memref<1x8x1x8x128xf32, #tpu.memory_space<hbm>>
    %dma_wait3A_89 = tpu.memref_squeeze %dma_wait3A_88 : memref<1x8x1x8x128xf32, #tpu.memory_space<hbm>> -> memref<8x8x128xf32, #tpu.memory_space<hbm>>
    %dma_wait3A_90 = arith.constant 0 : i32
    %dma_wait3A_91 = arith.constant 0 : i32
    %dma_wait3A_92 = arith.constant 0 : i32
    %dma_wait3A_93 = tpu.memref_slice %arg5[%dma_wait3A_79, %dma_wait3A_90, %dma_wait3A_80, %dma_wait3A_91, %dma_wait3A_92] : memref<200x8x8x8x128xf32, #tpu.memory_space<hbm>> -> memref<1x8x1x8x128xf32, #tpu.memory_space<hbm>>
    %dma_wait3A_94 = tpu.memref_squeeze %dma_wait3A_93 : memref<1x8x1x8x128xf32, #tpu.memory_space<hbm>> -> memref<8x8x128xf32, #tpu.memory_space<hbm>>
    %dma_wait3A_95 = arith.constant 0 : i32
    %dma_wait3A_96 = arith.constant 0 : i32
    %dma_wait3A_97 = arith.constant 0 : i32
    %dma_wait3A_98 = tpu.memref_slice %arg11[%dma_wait3A_95, %dma_wait3A_96, %dma_wait3A_97] : memref<8x8x129xf32, #tpu.memory_space<vmem>> -> memref<8x8x128xf32, #tpu.memory_space<vmem>>
    tpu.wait_dma2 semaphore(%arg15 : memref<!tpu.dma_semaphore, #tpu.memory_space<semaphore_mem>>) src(%dma_wait3A_98 : memref<8x8x128xf32, #tpu.memory_space<vmem>>) dst(%dma_wait3A_94 : memref<8x8x128xf32, #tpu.memory_space<hbm>>)
    return
  }
}

</mosaic_0001>

<sc_bundles>
// kernel: kernel.3.cloned.1.call-start
scs
__scs_entry_jumppad:
0x0: {  	(pc) =	sbr.rel $0x88, $3  }
0x1: {  	(tag) =	ssettag $0x0;
	lr =	simm.s32 $0x1  }
0x2: {  	[smem:$0x3F9E] =	sst lr;
	_ =	strace $0xD0000000  }
0x3: {  	_ = 	snop  }
0x4: {  	_ = 	snop  }
0x5: {  	_ = 	snop  }
0x6: {  	_ = 	snop  }
0x7: {  	_ = 	snop  }
__scs_overlays_trampoline_lowered:
0x8: {  	[smem:$0x3FAD] =	sst s0  }
0x9: {  	[smem:$0x3FAE] =	sst s1  }
0xa: {  	[smem:$0x3FAF] =	sst s2  }
0xb: {  	[smem:$0x3FB0] =	sst s3  }
0xc: {  	[smem:$0x3FB1] =	sst s4  }
0xd: {  	[smem:$0x3FB2] =	sst s5  }
0xe: {  	[smem:$0x3FB3] =	sst s6  }
0xf: {  	[smem:$0x3FB4] =	sst s7  }
0x10: {  	[smem:$0x3FB5] =	sst s8  }
0x11: {  	[smem:$0x3FB6] =	sst s9;
	s0 =	simm.s32 @!p0 $0x0  }
0x12: {  	s1 =	sld [smem:$0x3F9C];
	s0 =	simm.s32 @p0 $0x1  }
0x13: {  	[smem:$0x3FB7] =	sst s0;
	s0 =	simm.s32 @!p1 $0x0  }
0x14: {  	s2 =	sld [smem:$0x3F9B];
	s0 =	simm.s32 @p1 $0x1  }
0x15: {  	[smem:$0x3FB8] =	sst s0;
	s0 =	simm.s32 @!p2 $0x0  }
0x16: {  	s3 =	sld [smem:$0x3FDB];
	s0 =	simm.s32 @p2 $0x1  }
0x17: {  	s4 =	simm.s32 $0x1BF5;
	[smem:$0x3FBA] =	sst s0  }
0x18: {  	s0 =	sld [smem:$0x3F9D];
	_ =	swait.ge [sflag:s4], $0x0  }
0x19: {  	s7 =	sld [smem:$0x3F9E]  }
0x1a: {  	s8 =	sadd.s32 $0xFFFFE003, lr  }
0x1b: {  	s9 =	sadd.s32 $0xFFFFFEF7, lr;
	s5 =	simm.s32 $0xFFFFFFFF;
	p2 =	slt.u32 s8, $0xFFFFF086  }
0x1c: {  	p1 =	slt.u32 s9, $0xF7A;
	s5 =	simm.s32 @!p2 $0x0  }
0x1d: {  	s5 =	simm.s32 @p1 $0x1;
	p0 =	seq.s32 s7, s2  }
0x1e: {  	s7 =	smul.u32 @!p0 $0xF7A, s2;
	p2 =	seq.s32 @!p0 s5, $0x0  }
0x1f: {  	s9 =	smul.u32 $0xF7A, s1;
	s8 =	simm.s32 @!p0 $0x1BF5;
	p2 =	por !p2, p0  }
0x20: {  	[sflag:s8] =	ssyncset.s32 @!p0 $0xFFFFF086;
	s6 =	sadd.s32 @!p0 s3, s7;
	s7 =	simm.s32 @!p0 $0x108  }
0x21: {  	s3 =	sadd.s32 s3, s9;
	s6 =	sadd.s32 @!p0 $0x88, s6;
	s7 =	simm.s32 @p2 $0x1082  }
0x22: {  	[simem:s7], [sflag:s8] =	dma.local @!p0 [hbm:s6], $0xF7A  }
0x23: {  	s9 =	sor.u32 $0xD0000000, s2;
	s6 =	simm.s32 $0x108;
	_ =	swait.ge @!p0 [sflag:s8], $0x0  }
0x24: {  	s3 =	sadd.s32 $0x88, s3;
	s6 =	simm.s32 @!p1 $0x1082;
	[sflag:s4] =	ssyncset.s32 $0xFFFFF086  }
0x25: {  	[simem:s6], [sflag:s4] =	dma.local [hbm:s3], $0xF7A  }
0x26: {  	[smem:$0x3F9E] =	sst s1;
	(tag) =	ssettag s2;
	_ =	strace s9  }
0x27: {  	s1 =	sld [smem:$0x3FAE]  }
0x28: {  	s2 =	sld [smem:$0x3FAF]  }
0x29: {  	s4 =	sld [smem:$0x3FB1]  }
0x2a: {  	p0 =	seq.s32 s5, $0x0;
	s5 =	sld [smem:$0x3FB2]  }
0x2b: {  	s6 =	sld [smem:$0x3FB3]  }
0x2c: {  	s7 =	sld [smem:$0x3FB4]  }
0x2d: {  	s3 =	simm.s32 $0x108;
	s8 =	sld [smem:$0x3FB5]  }
0x2e: {  	s3 =	simm.s32 @!p0 $0x1082;
	s9 =	sld [smem:$0x3FB6]  }
0x2f: {  	lr =	sadd.s32 s0, s3;
	s0 =	sld [smem:$0x3FAD]  }
0x30: {  	s3 =	sld [smem:$0x3FB0]  }
0x31: {  	[smem:$0x3FB9] =	sst s10  }
0x32: {  	s10 =	sld [smem:$0x3FB7];
	_ =	sdelay $0x3  }
0x33: {  	p0 =	seq.s32 s10, $0x1;
	s10 =	sld [smem:$0x3FB9];
	_ =	sdelay $0x3  }
0x34: {  	[smem:$0x3FB9] =	sst s10  }
0x35: {  	s10 =	sld [smem:$0x3FB8];
	_ =	sdelay $0x3  }
0x36: {  	p1 =	seq.s32 s10, $0x1;
	s10 =	sld [smem:$0x3FB9];
	_ =	sdelay $0x3  }
0x37: {  	[smem:$0x3FB9] =	sst s10  }
0x38: {  	s10 =	sld [smem:$0x3FBA]  }
0x39: {  	_ = 	snop;
	(pc) =	sbr.ind lr, $3  }
0x3a: {  	_ = 	snop  }
0x3b: {  	_ = 	snop  }
0x3c: {  	p2 =	seq.s32 s10, $0x1;
	s10 =	sld [smem:$0x3FB9]  }
0x3d: {  	_ =	shalt  }
0x3e: {  	_ =	shalt  }
0x3f: {  	_ =	shalt  }
0x40: {  	_ =	shalt  }
0x41: {  	_ =	shalt  }
0x42: {  	_ =	shalt  }
0x43: {  	_ =	shalt  }
0x44: {  	_ =	shalt  }
0x45: {  	_ =	shalt  }
0x46: {  	_ =	shalt  }
0x47: {  	_ =	shalt  }
0x48: {  	_ =	shalt  }
0x49: {  	_ =	shalt  }
0x4a: {  	_ =	shalt  }
0x4b: {  	_ =	shalt  }
0x4c: {  	_ =	shalt  }
0x4d: {  	_ =	shalt  }
0x4e: {  	_ =	shalt  }
0x4f: {  	_ =	shalt  }
0x50: {  	_ =	shalt  }
0x51: {  	_ =	shalt  }
0x52: {  	_ =	shalt  }
0x53: {  	_ =	shalt  }
0x54: {  	_ =	shalt  }
0x55: {  	_ =	shalt  }
0x56: {  	_ =	shalt  }
0x57: {  	_ =	shalt  }
0x58: {  	_ =	shalt  }
0x59: {  	_ =	shalt  }
0x5a: {  	_ =	shalt  }
0x5b: {  	_ =	shalt  }
0x5c: {  	_ =	shalt  }
0x5d: {  	_ =	shalt  }
0x5e: {  	_ =	shalt  }
0x5f: {  	_ =	shalt  }
0x60: {  	_ =	shalt  }
0x61: {  	_ =	shalt  }
0x62: {  	_ =	shalt  }
0x63: {  	_ =	shalt  }
0x64: {  	_ =	shalt  }
0x65: {  	_ =	shalt  }
0x66: {  	_ =	shalt  }
0x67: {  	_ =	shalt  }
0x68: {  	_ =	shalt  }
0x69: {  	_ =	shalt  }
0x6a: {  	_ =	shalt  }
0x6b: {  	_ =	shalt  }
0x6c: {  	_ =	shalt  }
0x6d: {  	_ =	shalt  }
0x6e: {  	_ =	shalt  }
0x6f: {  	_ =	shalt  }
0x70: {  	_ =	shalt  }
0x71: {  	_ =	shalt  }
0x72: {  	_ =	shalt  }
0x73: {  	_ =	shalt  }
0x74: {  	_ =	shalt  }
0x75: {  	_ =	shalt  }
0x76: {  	_ =	shalt  }
0x77: {  	_ =	shalt  }
0x78: {  	_ =	shalt  }
0x79: {  	_ =	shalt  }
0x7a: {  	_ =	shalt  }
0x7b: {  	_ =	shalt  }
0x7c: {  	_ =	shalt  }
0x7d: {  	_ =	shalt  }
0x7e: {  	_ =	shalt  }
0x7f: {  	_ =	shalt  }
0x80: {  	_ =	shalt  }
0x81: {  	_ =	shalt  }
0x82: {  	_ =	shalt  }
0x83: {  	_ =	shalt  }
0x84: {  	_ =	shalt  }
0x85: {  	_ =	shalt  }
0x86: {  	_ =	shalt  }
0x87: {  	_ =	shalt  }
.Lfunc_end0:
.L_simem_size_0:
called_computation_lowered:
.L_overlay_start_0:
0x88: {  	s2 =	sld [smem:$0x3FD9]  }
0x89: {  	s3 =	sld [smem:$0x3FFE];
	_ =	sdelay $0x1  }
0x8a: {  	s1 =	srdreg.scid  }
0x8b: {  	s0 =	sand.u32 $0x1, s1  }
0x8c: {  	s17 =	sshll.u32 s0, $0xA;
	s2 =	sadd.s32 s3, s2  }
0x8d: {  	s2 =	sadd.s32 s2, s17  }
0x8e: {  	[smem:$0x3FC5] =	sst s2  }
0x8f: {  	_ = 	snop  }
0x90: {  	s2 =	sld [smem:$0x3FC9]  }
0x91: {  	s18 =	sld [smem:$0x3FD0];
	(tm) =	ssettm $0x1  }
0x92: {  	s4 =	sld [smem:$0x3FFB];
	_ =	sdelay $0x3  }
0x93: {  	_ =	strace s4  }
0x94: {  	s4 =	sld [smem:$0x3FFC];
	_ =	sdelay $0x3  }
0x95: {  	_ =	strace s4  }
0x96: {  	s4 =	sld [smem:$0x3FFD];
	_ =	sdelay $0x3  }
0x97: {  	_ =	strace s4  }
0x98: {  	_ =	strace $0x8FFFFFFF  }
0x99: {  	s19 =	sld [smem:$0x3FDB];
	_ =	sdelay $0x1  }
0x9a: {  	s5 =	simm.s32 $_scs_section_size  }
0x9b: {  	s6 =	simm.s32 $_size__tile_overlayer_lowered;
	s7 =	simm.s32 $_tile_overlayer_lowered  }
0x9c: {  	s22 =	simm.s32 $0x1BFF;
	s21 =	sshll.u32 s7, $0x1;
	s4 =	sadd.s32 s5, s19  }
0x9d: {  	s8 =	simm.s32 $0x0;
	s20 =	sshll.u32 s6, $0x1;
	s6 =	sadd.s32 s21, s4  }
0x9e: {  	[timem:s8], [sflag:s22] =	dma.local [hbm:s6], s20  }
0x9f: {  	_ =	swait.ge [sflag:s22], s20  }
0xa0: {  	s5 =	ssub.s32 $0x0, s20;
	[sflag:s22] =	ssyncset.done $0x0  }
0xa1: {  	[sflag:s22] =	ssyncadd.s32 s5;
	_ =	sdelay $0x1  }
0xa2: {  	s23 =	simm.s32 $0x1B8B  }
0xa3: {  	_ =	swait.ge [sflag:s23], $0x1  }
0xa4: {  	[sflag:s23] =	ssyncset.done $0x0  }
0xa5: {  	s25 =	simm.s32 $0x1B8E;
	s24 =	sld [smem:$0x3FFE];
	[sflag:s23] =	ssyncadd.s32 $0xFFFFFFFF  }
0xa6: {  	s26 =	simm.s32 $execute0_lowered;
	[smem:$0x3FD2] =	sst s25  }
0xa7: {  	s6 =	sshll.u32 s26, $0x1;
	_ =	strace $0x80000046;
	[dreg:$0x1] =	wrdreg $0xFFFFFFFF  }
0xa8: {  	s28 =	simm.s32 $_size_execute0_lowered;
	s4 =	sadd.s32 s4, s6;
	[dreg:$0x0] =	wrdreg $0x0  }
0xa9: {  	s6 =	sshll.u32 s28, $0x1;
	[dreg:$0x2] =	wrdreg s4  }
0xaa: {  	[dreg:$0x3] =	wrdreg s6  }
0xab: {  	[dreg:$0x4] =	wrdreg $0xC0  }
0xac: {  	_ =	task [dreg:s8], $0x5FFFF  }
0xad: {  	[dreg:$0x1] =	wrdreg $0xFFFFFFFF  }
0xae: {  	[dreg:$0x0] =	wrdreg $0x60  }
0xaf: {  	[dreg:$0x2] =	wrdreg s2  }
0xb0: {  	[dreg:$0x3] =	wrdreg s24  }
0xb1: {  	[dreg:$0x4] =	wrdreg s18  }
0xb2: {  	[dreg:$0x5] =	wrdreg $0x9  }
0xb3: {  	_ =	task.clear_ibuf [dreg:s8], $0x6FFFF;
	_ =	strace $0x90000046  }
0xb4: {  	s29 =	simm.s32 $0x9;
	_ =	strace $0x80000048  }
0xb5: {  	_ =	swait.ge [sflag:s29], $0x1  }
0xb6: {  	[sflag:s29] =	ssyncadd.s32 $0xFFFFFFFF  }
0xb7: {  	_ =	strace $0x90000048  }
0xb8: {  	_ =	sfence  }
0xb9: {  	s30 =	sld [smem:$0x0];
	_ =	sdelay $0x2  }
0xba: {  	s31 =	sshll.u32 s1, $0xD;
	s1 =	sshrl.u32 s1, $0x2  }
0xbb: {  	s3 =	sand.u32 $0x4000, s31;
	s1 =	sadd.s32 s1, s30  }
0xbc: {  	s0 =	sor.u32 s3, s0;
	s1 =	sshll.u32 s1, $0x11  }
0xbd: {  	s0 =	sor.u32 s1, s0  }
0xbe: {  	s0 =	sadd.s32 $0x8F2B, s0  }
0xbf: {  	[sflag:s0] =	ssyncadd.remote.s32 $0x1  }
0xc0: {  	_ =	sfence.sel $0xFFFF  }
0xc1: {  	[dreg:$0x0] =	wrdreg $0xFFFFFFFF;
	(pc) =	sbr.abs _section_cstart, $3  }
0xc2: {  	[dreg:$0x1] =	wrdreg $0xFFFFFFFF  }
0xc3: {  	_ =	task.clear_ibuf [dreg:s8], $0x2FFFF;
	_ =	strace $0x9FFFFFFF  }
0xc4: {  	(tm) =	ssettm $0x7FFFFFFF  }
0xc5: {  	_ =	shalt  }
tec
execute0_lowered:
.L_overlay_start_1:
0x0: {  	(tag) =	ssettag $0x1  }
0x1: {  	s7 =	rddreg [dreg:$0x0]  }
0x2: {  	s5 =	rddreg [dreg:$0x1]  }
0x3: {  	s2 =	rddreg [dreg:$0x2]  }
0x4: {  	s0 =	rddreg [dreg:$0x3]  }
0x5: {  	s4 =	srdreg.scid;
	s1 =	stileid.u32  }
0x6: {  	s3 =	simm.s32 $0x0;
	s11 =	simm.s32 $0x80;
	s12 =	simm.s32 $0x4B00  }
0x7: {  	s13 =	simm.s32 $0x1;
	s14 =	simm.s32 $0x6B00;
	s15 =	simm.s32 $0x8B00  }
0x8: {  	s16 =	simm.s32 $0x2;
	s17 =	simm.s32 $0xAD00;
	s18 =	simm.s32 $0x3  }
0x9: {  	s19 =	simm.s32 $0x4;
	s20 =	simm.s32 $0x0;
	s4 =	sand.u32 $0x1, s4  }
0xa: {  	s6 =	sshll.u32 s1, $0x1;
	[smem:$0x7FF] =	sst s3;
	s8 =	ssub.s32 $0x2, s4  }
0xb: {  	v0 =	vlaneseq.u32;
	s6 =	sor.u32 s4, s6;
	_ =	strace $0x80000047;
	s4 =	sadd.s32 $0xC00, s5  }
0xc: {  	v0 =	vmul.u32 $0x88, v0;
	s5 =	sadd.s32 $0x400, s5;
	s9 =	sshrl.u32 s8, $0x1;
	s10 =	smul.u32 $0x320, s6  }
0xd: {  	s6 =	smul.u32 $0x32, s6;
	s8 =	ssub.s32 s8, s9;
	s9 =	simm.s32 $0x5  }
0xe: {  	v1 =	vadd.s32 $0x880, v0;
	v2 =	vadd.s32 $0x1100, v0;
	v3 =	vadd.s32 $0x1980, v0;
	s7 =	sadd.s32 s7, s10;
	s8 =	smax.u32 s8, $0x1;
	s10 =	simm.s32 $0x3200  }
.LBB2_1:
0xf: {  	[tilespmem:s3], [sflag:$0x5] =	stream.linear.gather [hbm4b:s5+s3], $0x3200, $0x38;
	[tilespmem:$0xCF00] =	vst v63  }
0x10: {  	_ =	swait.ge [sflag:s9], $0x3200  }
0x11: {  	[sflag:s9] =	ssyncset.done $0x0  }
0x12: {  	[sflag:s9] =	ssyncadd.s32 $0xFFFFCE00  }
0x13: {  	[tilespmem:s10], [sflag:$0x5] =	stream.linear.gather [hbm4b:s7+s3], $0x1900, $0x38;
	[tilespmem:$0xCF00] =	vst v63  }
0x14: {  	_ =	swait.ge [sflag:s9], $0x1900  }
0x15: {  	[sflag:s9] =	ssyncset.done $0x0  }
0x16: {  	s21 =	simm.s32 $0x0;
	[sflag:s9] =	ssyncadd.s32 $0xFFFFE700  }
0x17: {  	[tilespmem:s12], [sflag:$0x1] =	stream.indirect.gather [hbm4b:s4+s11], $0x40, s10, s11, $0xb8;
	[tilespmem:$0xCF00] =	vst v63  }
.LBB2_2:
0x18: {  	s22 =	sshllo.u32 s21, $0x1;
	_ =	swait.ge [sflag:s13], $0x2000  }
0x19: {  	s24 =	sshll.u32 s21, $0x1;
	p0 =	seq.s32 s21, $0x0;
	s23 =	sshll.u32 s22, $0x7  }
0x1a: {  	[sflag:s13] =	ssyncset.done $0x0;
	s25 =	sand.u32 $0x3FFFFF80, s23;
	s23 =	sadd.s32 s6, s24  }
0x1b: {  	[sflag:s13] =	ssyncadd.s32 $0xFFFFE000;
	s30 =	sadd.s32 $0x3200, s25;
	s31 =	sshrl.u32 s23, $0x3  }
0x1c: {  	[tilespmem:s14], [sflag:$0x2] =	stream.indirect.gather [hbm4b:s4+s11], $0x40, s30, s11, $0xb8;
	[tilespmem:$0xCF00] =	vst v63  }
0x1d: {  	s25 =	simm.s32 @!p0 $0x3;
	s26 =	sand.u32 $0x6, s23;
	s24 =	sand.u32 $0xFFFFFF8, s31  }
0x1e: {  	_ =	swait.ge @!p0 [sflag:s25], $0x2000;
	s24 =	sor.u32 s26, s24  }
0x1f: {  	[sflag:s25] =	ssyncset.done @!p0 $0x0;
	s26 =	sshll.u32 s24, $0x8  }
0x20: {  	[sflag:s25] =	ssyncadd.s32 @!p0 $0xFFFFE000;
	s26 =	sshra.s32 s26, $0x2  }
0x21: {  	v12 =	vimm.s32 $0x0;
	s25 =	simm.s32 $0x4B80;
	v6 =	vld [tilespmem:s26+$0x0]  }
0x22: {  	v8 =	vand.u32 $0xFFFFFFF8, v12;
	v4 =	vld [tilespmem:s25+$0xFFFFFF80]  }
0x23: {  	v13 =	vand.u32 $0x4, v12;
	v10 =	vadd.s32 v0, v8;
	v9 =	vld [tilespmem:s25+$0x0]  }
0x24: {  	v16 =	vor.u32 $0x2, v13;
	v14 =	vor.u32 v13, v10;
	v11 =	vld [tilespmem:s25+$0xFFFFFFC0]  }
0x25: {  	v15 =	vor.u32 $0x1, v13;
	v18 =	vor.u32 v16, v10;
	v17 =	vld [tilespmem:s25+$0x40]  }
0x26: {  	v19 =	vor.u32 $0x3, v13;
	v20 =	vor.u32 v15, v10  }
0x27: {  	v10 =	vor.u32 v19, v10;
	v7 =	vld [tilespmem:s26+$0x10];
	v21 =	vadd.f32 v4, v6  }
0x28: {  	v5 =	vld [tilespmem:s26+$0x20];
	v9 =	vadd.f32 v9, v6  }
0x29: {  	v4 =	vld [tilespmem:s26+$0x30];
	v11 =	vadd.f32 v11, v6;
	[tilespmem:v14+s15+$0x0] =	vst.idx.msk $0xffff, v21  }
0x2a: {  	[tilespmem:v18+s15+$0x0] =	vst.idx.msk $0xffff, v9;
	v9 =	vadd.f32 v17, v6  }
0x2b: {  	v17 =	vadd.s32 v2, v8;
	[tilespmem:v20+s15+$0x0] =	vst.idx.msk $0xffff, v11;
	v20 =	vadd.s32 v1, v8;
	v14 =	vld [tilespmem:s25+$0xFFFFFF90]  }
0x2c: {  	v18 =	vld [tilespmem:s25+$0x10];
	v21 =	vor.u32 v13, v17;
	v23 =	vor.u32 v13, v20;
	[tilespmem:v10+s15+$0x0] =	vst.idx.msk $0xffff, v9  }
0x2d: {  	v34 =	vor.u32 v16, v17;
	v11 =	vor.u32 v15, v17;
	v10 =	vor.u32 v19, v17;
	v17 =	vld [tilespmem:s25+$0x50]  }
0x2e: {  	v24 =	vadd.s32 v3, v8;
	s26 =	simm.s32 $0x4C80;
	v25 =	vor.u32 v16, v20  }
0x2f: {  	v28 =	vld [tilespmem:s26+$0xFFFFFFC0];
	v8 =	vor.u32 v13, v24;
	v26 =	vor.u32 v15, v20;
	v20 =	vor.u32 v19, v20  }
0x30: {  	v22 =	vld [tilespmem:s25+$0xFFFFFFD0];
	v9 =	vor.u32 v15, v24;
	v15 =	vadd.s32 $0x4, v12;
	v13 =	vadd.f32 v14, v7  }
0x31: {  	v12 =	vor.u32 v16, v24;
	v27 =	vand.u32 $0xFFFFFFF8, v15;
	v14 =	vadd.f32 v18, v7;
	v18 =	vld [tilespmem:s26+$0xFFFFFF80]  }
0x32: {  	v32 =	vld [tilespmem:s26+$0x40];
	v29 =	vadd.s32 v0, v27;
	[tilespmem:v23+s15+$0x0] =	vst.idx.msk $0xffff, v13;
	v23 =	vadd.f32 v17, v7;
	v17 =	vand.u32 $0x4, v15  }
0x33: {  	[tilespmem:v25+s15+$0x0] =	vst.idx.msk $0xffff, v14;
	v13 =	vor.u32 v19, v24;
	v30 =	vld [tilespmem:s25+$0xFFFFFFA0];
	v24 =	vor.u32 v17, v29;
	v14 =	vor.u32 $0x3, v17  }
0x34: {  	v31 =	vld [tilespmem:s26+$0x0];
	v35 =	vor.u32 v14, v29  }
0x35: {  	v28 =	vadd.f32 v28, v6;
	v22 =	vadd.f32 v22, v7;
	[tilespmem:v20+s15+$0x0] =	vst.idx.msk $0xffff, v23;
	v23 =	vld [tilespmem:s25+$0x20];
	v20 =	vor.u32 $0x2, v17  }
0x36: {  	v16 =	vor.u32 $0x1, v17;
	v33 =	vor.u32 v20, v29;
	v37 =	vadd.f32 v18, v6  }
0x37: {  	v32 =	vadd.f32 v32, v6;
	[tilespmem:v26+s15+$0x0] =	vst.idx.msk $0xffff, v22;
	v29 =	vor.u32 v16, v29;
	v36 =	vld [tilespmem:s25+$0x60]  }
0x38: {  	v25 =	vadd.s32 v2, v27;
	v22 =	vadd.f32 v30, v5;
	v30 =	vld [tilespmem:s25+$0xFFFFFFE0];
	[tilespmem:v24+s15+$0x0] =	vst.idx.msk $0xffff, v37  }
0x39: {  	v26 =	vadd.f32 v31, v6;
	v19 =	vor.u32 v17, v25;
	[tilespmem:v35+s15+$0x0] =	vst.idx.msk $0xffff, v32  }
0x3a: {  	v18 =	vor.u32 v20, v25;
	v63 =	vadd.f32 v23, v5;
	v24 =	vld [tilespmem:s26+$0xFFFFFF90];
	[tilespmem:v21+s15+$0x0] =	vst.idx.msk $0xffff, v22  }
0x3b: {  	v23 =	vor.u32 v16, v25;
	v22 =	vor.u32 v14, v25;
	[tilespmem:v33+s15+$0x0] =	vst.idx.msk $0xffff, v26;
	v25 =	vld [tilespmem:s25+$0xFFFFFFB0]  }
0x3c: {  	v26 =	vadd.f32 v36, v5;
	[tilespmem:v29+s15+$0x0] =	vst.idx.msk $0xffff, v28;
	v31 =	vld [tilespmem:s26+$0x10]  }
0x3d: {  	v21 =	vadd.s32 v3, v27;
	v33 =	vadd.s32 v1, v27;
	v28 =	vld [tilespmem:s26+$0xFFFFFFD0];
	v32 =	vadd.f32 v30, v5  }
0x3e: {  	s28 =	simm.s32 $0x4;
	v27 =	vor.u32 v17, v33;
	v29 =	vor.u32 v20, v33;
	[tilespmem:v34+s15+$0x0] =	vst.idx.msk $0xffff, v63;
	v30 =	vld [tilespmem:s26+$0x50]  }
.LBB2_3:
0x3f: {  	s28 =	sadd.s32 $0x4, s28;
	v34 =	vor.u32 v16, v33;
	v33 =	vor.u32 v14, v33;
	[tilespmem:v11+s15+$0x0] =	vst.idx.msk $0xffff, v32;
	v32 =	vld [tilespmem:s25+$0x30];
	v11 =	vmov v23  }
0x40: {  	v17 =	vor.u32 v17, v21;
	p0 =	slt.u32 s28, $0x7C;
	v23 =	vadd.f32 v25, v4;
	v25 =	vld [tilespmem:s25+$0xFFFFFFF0];
	[tilespmem:v10+s15+$0x0] =	vst.idx.msk $0xffff, v26;
	v10 =	vmov v22  }
0x41: {  	v22 =	vor.u32 v16, v21;
	v26 =	vor.u32 v20, v21;
	v16 =	vadd.f32 v31, v7;
	v20 =	vld [tilespmem:s25+$0x70];
	s25 =	smov.u32 s26;
	s26 =	sadd.s32 $0x100, s26  }
0x42: {  	v24 =	vadd.f32 v24, v7;
	v31 =	vld [tilespmem:s26+$0x0];
	v28 =	vadd.f32 v28, v7;
	[tilespmem:v8+s15+$0x0] =	vst.idx.msk $0xffff, v23;
	v8 =	vmov v17  }
0x43: {  	v15 =	vadd.s32 $0x4, v15;
	v21 =	vor.u32 v14, v21;
	v23 =	vld [tilespmem:s26+$0xFFFFFF80];
	[tilespmem:v29+s15+$0x0] =	vst.idx.msk $0xffff, v16;
	v29 =	vadd.f32 v30, v7  }
0x44: {  	v17 =	vand.u32 $0x4, v15;
	v30 =	vand.u32 $0xFFFFFFF8, v15;
	v35 =	vld [tilespmem:s26+$0xFFFFFFC0];
	[tilespmem:v27+s15+$0x0] =	vst.idx.msk $0xffff, v24;
	v24 =	vadd.f32 v32, v4  }
0x45: {  	v16 =	vor.u32 $0x1, v17;
	v27 =	vadd.s32 v0, v30;
	v32 =	vld [tilespmem:s25+$0xFFFFFFA0];
	[tilespmem:v33+s15+$0x0] =	vst.idx.msk $0xffff, v29;
	v25 =	vadd.f32 v25, v4  }
0x46: {  	v14 =	vor.u32 $0x3, v17;
	v29 =	vor.u32 v17, v27;
	v33 =	vld [tilespmem:s25+$0x20];
	[tilespmem:v12+s15+$0x0] =	vst.idx.msk $0xffff, v24;
	v24 =	vadd.f32 v20, v4  }
0x47: {  	v36 =	vadd.s32 v2, v30;
	v38 =	vor.u32 v14, v27;
	v20 =	vor.u32 $0x2, v17;
	v37 =	vld [tilespmem:s26+$0x40];
	[tilespmem:v9+s15+$0x0] =	vst.idx.msk $0xffff, v25  }
0x48: {  	v39 =	vor.u32 v16, v27;
	v25 =	vor.u32 v20, v27;
	v9 =	vmov v22;
	v27 =	vld [tilespmem:s25+$0x60];
	[tilespmem:v13+s15+$0x0] =	vst.idx.msk $0xffff, v24  }
0x49: {  	v12 =	vmov v26;
	v22 =	vadd.f32 v23, v6;
	v35 =	vadd.f32 v35, v6;
	[tilespmem:v34+s15+$0x0] =	vst.idx.msk $0xffff, v28  }
0x4a: {  	v26 =	vor.u32 v17, v36;
	v13 =	vmovc v21;
	v34 =	vor.u32 v20, v36;
	v28 =	vadd.f32 v32, v5;
	v32 =	vld [tilespmem:s25+$0xFFFFFFE0]  }
0x4b: {  	v21 =	vadd.f32 v31, v6;
	[tilespmem:v29+s15+$0x0] =	vst.idx.msk $0xffff, v22;
	v40 =	vadd.f32 v33, v5  }
.Ltmp0:
0x4c: {  	v23 =	vor.u32 v16, v36;
	v22 =	vor.u32 v14, v36;
	v24 =	vld [tilespmem:s26+$0xFFFFFF90];
	[tilespmem:v19+s15+$0x0] =	vst.idx.msk $0xffff, v28;
	v19 =	vmov v26;
	(pc) =	sbr.rel @p0 .LBB2_3-.Ltmp0, $4  }
0x4d: {  	v29 =	vadd.f32 v37, v6;
	[tilespmem:v25+s15+$0x0] =	vst.idx.msk $0xffff, v21;
	v25 =	vld [tilespmem:s25+$0xFFFFFFB0];
	v26 =	vadd.f32 v27, v5  }
0x4e: {  	v21 =	vadd.s32 v3, v30;
	[tilespmem:v39+s15+$0x0] =	vst.idx.msk $0xffff, v35;
	v31 =	vld [tilespmem:s26+$0x10]  }
0x4f: {  	v33 =	vadd.s32 v1, v30;
	v28 =	vld [tilespmem:s26+$0xFFFFFFD0];
	[tilespmem:v38+s15+$0x0] =	vst.idx.msk $0xffff, v29;
	v32 =	vadd.f32 v32, v5  }
0x50: {  	v27 =	vor.u32 v17, v33;
	v29 =	vor.u32 v20, v33;
	v30 =	vld [tilespmem:s26+$0x50];
	[tilespmem:v18+s15+$0x0] =	vst.idx.msk $0xffff, v40;
	v18 =	vmov v34  }
0x51: {  	_ = 	snop  }
0x52: {  	v6 =	vor.u32 v16, v33  }
0x53: {  	v15 =	vor.u32 v14, v33;
	v24 =	vadd.f32 v24, v7  }
0x54: {  	v31 =	vadd.f32 v31, v7  }
0x55: {  	[tilespmem:v27+s15+$0x0] =	vst.idx.msk $0xffff, v24;
	v28 =	vadd.f32 v28, v7  }
0x56: {  	v24 =	vld [tilespmem:s26+$0xFFFFFFA0];
	[tilespmem:v29+s15+$0x0] =	vst.idx.msk $0xffff, v31;
	v47 =	vadd.f32 v30, v7  }
0x57: {  	v48 =	vld [tilespmem:s26+$0x20];
	[tilespmem:v6+s15+$0x0] =	vst.idx.msk $0xffff, v28  }
0x58: {  	[tilespmem:v15+s15+$0x0] =	vst.idx.msk $0xffff, v47;
	v6 =	vld [tilespmem:s26+$0xFFFFFFE0]  }
0x59: {  	v7 =	vld [tilespmem:s26+$0x60];
	_ =	sdelay $0x1  }
0x5a: {  	[tilespmem:v11+s15+$0x0] =	vst.idx.msk $0xffff, v32;
	v49 =	vld [tilespmem:s25+$0x30];
	v50 =	vadd.f32 v24, v5  }
0x5b: {  	[tilespmem:v10+s15+$0x0] =	vst.idx.msk $0xffff, v26;
	v51 =	vld [tilespmem:s25+$0xFFFFFFF0];
	v52 =	vadd.f32 v48, v5  }
0x5c: {  	v26 =	vld [tilespmem:s25+$0x70];
	[tilespmem:v19+s15+$0x0] =	vst.idx.msk $0xffff, v50;
	v6 =	vadd.f32 v6, v5  }
0x5d: {  	v15 =	vld [tilespmem:s26+$0xFFFFFFB0];
	v5 =	vadd.f32 v7, v5;
	[tilespmem:v18+s15+$0x0] =	vst.idx.msk $0xffff, v52  }
0x5e: {  	v53 =	vadd.f32 v25, v4;
	[tilespmem:v23+s15+$0x0] =	vst.idx.msk $0xffff, v6;
	v54 =	vld [tilespmem:s26+$0x30]  }
0x5f: {  	v55 =	vor.u32 v17, v21;
	v11 =	vadd.f32 v49, v4;
	v56 =	vld [tilespmem:s26+$0xFFFFFFF0];
	[tilespmem:v22+s15+$0x0] =	vst.idx.msk $0xffff, v5  }
0x60: {  	[tilespmem:v8+s15+$0x0] =	vst.idx.msk $0xffff, v53;
	v57 =	vadd.f32 v51, v4;
	v5 =	vor.u32 v20, v21;
	v58 =	vld [tilespmem:s26+$0x70]  }
0x61: {  	v59 =	vor.u32 v16, v21;
	v60 =	vadd.f32 v26, v4;
	[tilespmem:v12+s15+$0x0] =	vst.idx.msk $0xffff, v11  }
0x62: {  	v61 =	vor.u32 v14, v21;
	[tilespmem:v9+s15+$0x0] =	vst.idx.msk $0xffff, v57;
	v62 =	vadd.f32 v15, v4  }
0x63: {  	s23 =	sshll.u32 s23, $0x7;
	[tilespmem:v13+s15+$0x0] =	vst.idx.msk $0xffff, v60;
	v6 =	vadd.f32 v54, v4  }
0x64: {  	s24 =	sshll.u32 s24, $0x10;
	s23 =	sand.u32 $0x1C00, s23;
	[tilespmem:v55+s15+$0x0] =	vst.idx.msk $0xffff, v62;
	v63 =	vadd.f32 v56, v4  }
0x65: {  	s23 =	sor.u32 s23, s24;
	[tilespmem:v5+s15+$0x0] =	vst.idx.msk $0xffff, v6;
	v4 =	vadd.f32 v58, v4  }
0x66: {  	s23 =	sshrl.u32 s23, $0x3;
	[tilespmem:v59+s15+$0x0] =	vst.idx.msk $0xffff, v63  }
0x67: {  	s25 =	simm.s32 $0x8B00;
	s24 =	sadd.s32 s2, s23;
	[tilespmem:v61+s15+$0x0] =	vst.idx.msk $0xffff, v4  }
0x68: {  	[hbm4b:s24+s3] =	stream.linear.scatter [tilespmem:s25], [sflag:$0x3], $0x80, $0x38;
	[tilespmem:$0xCF00] =	vst v63  }
0x69: {  	s29 =	sadd.s32 $0x10, s24;
	s26 =	simm.s32 $0x8B88  }
0x6a: {  	[hbm4b:s29+s3] =	stream.linear.scatter [tilespmem:s26], [sflag:$0x3], $0x80, $0x38;
	[tilespmem:$0xCF00] =	vst v63  }
0x6b: {  	s30 =	simm.s32 $0x8C10;
	s23 =	simm.s32 $0x440;
	s31 =	sadd.s32 $0x20, s24  }
0x6c: {  	[hbm4b:s31+s3] =	stream.linear.scatter [tilespmem:s30], [sflag:$0x3], $0x80, $0x38;
	[tilespmem:$0xCF00] =	vst v63  }
0x6d: {  	s28 =	sadd.s32 $0x70, s24;
	s26 =	simm.s32 $0x8C98;
	s29 =	sadd.s32 $0x30, s24  }
0x6e: {  	[hbm4b:s29+s3] =	stream.linear.scatter [tilespmem:s26], [sflag:$0x3], $0x80, $0x38;
	[tilespmem:$0xCF00] =	vst v63  }
0x6f: {  	s25 =	simm.s32 $0x2200;
	s30 =	simm.s32 $0x8D20;
	s31 =	sadd.s32 $0x40, s24  }
0x70: {  	[hbm4b:s31+s3] =	stream.linear.scatter [tilespmem:s30], [sflag:$0x3], $0x80, $0x38;
	[tilespmem:$0xCF00] =	vst v63  }
0x71: {  	s26 =	simm.s32 $0x8DA8;
	s29 =	sadd.s32 $0x50, s24;
	s30 =	simm.s32 $0x8E30  }
0x72: {  	[hbm4b:s29+s3] =	stream.linear.scatter [tilespmem:s26], [sflag:$0x3], $0x80, $0x38;
	[tilespmem:$0xCF00] =	vst v63  }
0x73: {  	s31 =	sadd.s32 $0x60, s24;
	s24 =	sadd.s32 $0x400, s24;
	s26 =	simm.s32 $0x8EB8  }
0x74: {  	[hbm4b:s31+s3] =	stream.linear.scatter [tilespmem:s30], [sflag:$0x3], $0x80, $0x38;
	[tilespmem:$0xCF00] =	vst v63  }
.LBB2_5:
0x75: {  	[hbm4b:s28+s3] =	stream.linear.scatter [tilespmem:s26], [sflag:$0x3], $0x80, $0x38;
	[tilespmem:$0xCF00] =	vst v63  }
0x76: {  	s26 =	smov.u32 s23;
	s23 =	smov.u32 s25  }
0x77: {  	s29 =	sadd.s32 $0x1100, s25;
	s23 =	sshra.s32 s23, $0x2;
	s28 =	sadd.s32 $0x8B00, s26  }
0x78: {  	[hbm4b:s24+s3] =	stream.linear.scatter [tilespmem:s28], [sflag:$0x3], $0x80, $0x38;
	[tilespmem:$0xCF00] =	vst v63  }
0x79: {  	p0 =	sne.s32 s25, $0x7700;
	s25 =	sadd.s32 $0x8B88, s26;
	s28 =	sadd.s32 $0x10, s24  }
0x7a: {  	[hbm4b:s28+s3] =	stream.linear.scatter [tilespmem:s25], [sflag:$0x3], $0x80, $0x38;
	[tilespmem:$0xCF00] =	vst v63  }
0x7b: {  	s25 =	sadd.s32 $0x8C10, s26;
	s28 =	sadd.s32 $0x20, s24  }
0x7c: {  	[hbm4b:s28+s3] =	stream.linear.scatter [tilespmem:s25], [sflag:$0x3], $0x80, $0x38;
	[tilespmem:$0xCF00] =	vst v63  }
0x7d: {  	s25 =	sadd.s32 $0x8C98, s26;
	s28 =	sadd.s32 $0x30, s24  }
0x7e: {  	[hbm4b:s28+s3] =	stream.linear.scatter [tilespmem:s25], [sflag:$0x3], $0x80, $0x38;
	[tilespmem:$0xCF00] =	vst v63  }
0x7f: {  	s25 =	sadd.s32 $0x8D20, s26;
	s28 =	sadd.s32 $0x40, s24  }
0x80: {  	[hbm4b:s28+s3] =	stream.linear.scatter [tilespmem:s25], [sflag:$0x3], $0x80, $0x38;
	[tilespmem:$0xCF00] =	vst v63  }
.Ltmp1:
0x81: {  	s25 =	sadd.s32 $0x8DA8, s26;
	s28 =	sadd.s32 $0x50, s24;
	(pc) =	sbr.rel @p0 .LBB2_5-.Ltmp1, $4  }
0x82: {  	[hbm4b:s28+s3] =	stream.linear.scatter [tilespmem:s25], [sflag:$0x3], $0x80, $0x38;
	[tilespmem:$0xCF00] =	vst v63  }
0x83: {  	s25 =	sadd.s32 $0x8E30, s26;
	s28 =	sadd.s32 $0x60, s24;
	s26 =	sadd.s32 $0x8EB8, s26  }
0x84: {  	[hbm4b:s28+s3] =	stream.linear.scatter [tilespmem:s25], [sflag:$0x3], $0x80, $0x38;
	[tilespmem:$0xCF00] =	vst v63  }
0x85: {  	s28 =	sadd.s32 $0x70, s24;
	s24 =	sadd.s32 $0x400, s24;
	s25 =	smov.u32 s29  }
0x86: {  	[hbm4b:s28+s3] =	stream.linear.scatter [tilespmem:s26], [sflag:$0x3], $0x80, $0x38;
	[tilespmem:$0xCF00] =	vst v63  }
0x87: {  	s25 =	sadd.s32 $0x8B00, s23  }
0x88: {  	[hbm4b:s24+s3] =	stream.linear.scatter [tilespmem:s25], [sflag:$0x3], $0x80, $0x38;
	[tilespmem:$0xCF00] =	vst v63  }
0x89: {  	s28 =	sadd.s32 $0x8B88, s23;
	s29 =	sadd.s32 $0x10, s24  }
0x8a: {  	[hbm4b:s29+s3] =	stream.linear.scatter [tilespmem:s28], [sflag:$0x3], $0x80, $0x38;
	[tilespmem:$0xCF00] =	vst v63  }
0x8b: {  	s30 =	sadd.s32 $0x8C10, s23;
	s31 =	sadd.s32 $0x20, s24  }
0x8c: {  	[hbm4b:s31+s3] =	stream.linear.scatter [tilespmem:s30], [sflag:$0x3], $0x80, $0x38;
	[tilespmem:$0xCF00] =	vst v63  }
0x8d: {  	s28 =	sadd.s32 $0x8C98, s23;
	s29 =	sadd.s32 $0x30, s24  }
0x8e: {  	[hbm4b:s29+s3] =	stream.linear.scatter [tilespmem:s28], [sflag:$0x3], $0x80, $0x38;
	[tilespmem:$0xCF00] =	vst v63  }
0x8f: {  	s30 =	sadd.s32 $0x8D20, s23;
	s31 =	sadd.s32 $0x40, s24  }
0x90: {  	[hbm4b:s31+s3] =	stream.linear.scatter [tilespmem:s30], [sflag:$0x3], $0x80, $0x38;
	[tilespmem:$0xCF00] =	vst v63  }
0x91: {  	s26 =	sadd.s32 $0x8EB8, s23;
	s28 =	sadd.s32 $0x8DA8, s23;
	s29 =	sadd.s32 $0x50, s24  }
0x92: {  	[hbm4b:s29+s3] =	stream.linear.scatter [tilespmem:s28], [sflag:$0x3], $0x80, $0x38;
	[tilespmem:$0xCF00] =	vst v63  }
0x93: {  	p0 =	seq.s32 s21, $0x18;
	s30 =	sadd.s32 $0x8E30, s23;
	s31 =	sadd.s32 $0x60, s24  }
0x94: {  	[hbm4b:s31+s3] =	stream.linear.scatter [tilespmem:s30], [sflag:$0x3], $0x80, $0x38;
	[tilespmem:$0xCF00] =	vst v63  }
0x95: {  	s22 =	sadd.s32 s6, s22;
	s23 =	sshll.u32 @!p0 s21, $0x8;
	s28 =	sadd.s32 $0x70, s24  }
0x96: {  	[hbm4b:s28+s3] =	stream.linear.scatter [tilespmem:s26], [sflag:$0x3], $0x80, $0x38;
	[tilespmem:$0xCF00] =	vst v63  }
0x97: {  	p1 =	seq.s32 @!p0 s21, $0x0;
	s23 =	sand.u32 @!p0 $0x3FFFFF00, s23;
	_ =	swait.ge [sflag:s16], $0x2000  }
0x98: {  	s25 =	simm.s32 @!p0 $0x4B00;
	s23 =	sadd.s32 @!p0 $0x3300, s23;
	[sflag:s16] =	ssyncset.done $0x0  }
0x99: {  	s24 =	simm.s32 @!p0 $0x80;
	s29 =	sshrl.u32 s22, $0x3;
	[sflag:s16] =	ssyncadd.s32 $0xFFFFE000  }
0x9a: {  	[tilespmem:s25], [sflag:$0x1] =	stream.indirect.gather @!p0 [hbm4b:s4+s24], $0x40, s23, s24, $0xb8;
	[tilespmem:$0xCF00] =	vst v63  }
0x9b: {  	s30 =	sand.u32 $0x7, s22;
	p0 =	por p0, !p1;
	s23 =	sand.u32 $0xFFFFFF8, s29  }
0x9c: {  	_ =	swait.ge @p0 [sflag:s19], $0x2000;
	s23 =	sor.u32 s30, s23  }
0x9d: {  	[sflag:s19] =	ssyncset.done @p0 $0x0;
	s24 =	sshll.u32 s23, $0x8  }
0x9e: {  	[sflag:s19] =	ssyncadd.s32 @p0 $0xFFFFE000;
	s31 =	sshra.s32 s24, $0x2  }
0x9f: {  	v12 =	vimm.s32 $0x0;
	s24 =	simm.s32 $0x6B80;
	v6 =	vld [tilespmem:s31+$0x0]  }
0xa0: {  	v8 =	vand.u32 $0xFFFFFFF8, v12;
	v4 =	vld [tilespmem:s24+$0xFFFFFF80]  }
0xa1: {  	v13 =	vand.u32 $0x4, v12;
	v10 =	vadd.s32 v0, v8;
	v9 =	vld [tilespmem:s24+$0x0]  }
0xa2: {  	v16 =	vor.u32 $0x2, v13;
	v14 =	vor.u32 v13, v10;
	v11 =	vld [tilespmem:s24+$0xFFFFFFC0]  }
0xa3: {  	v15 =	vor.u32 $0x1, v13;
	v18 =	vor.u32 v16, v10;
	v17 =	vld [tilespmem:s24+$0x40]  }
0xa4: {  	v19 =	vor.u32 $0x3, v13;
	v20 =	vor.u32 v15, v10  }
0xa5: {  	v10 =	vor.u32 v19, v10;
	v7 =	vld [tilespmem:s31+$0x10];
	v21 =	vadd.f32 v4, v6  }
0xa6: {  	v5 =	vld [tilespmem:s31+$0x20];
	v9 =	vadd.f32 v9, v6  }
0xa7: {  	v4 =	vld [tilespmem:s31+$0x30];
	v11 =	vadd.f32 v11, v6;
	[tilespmem:v14+s17+$0x0] =	vst.idx.msk $0xffff, v21  }
0xa8: {  	[tilespmem:v18+s17+$0x0] =	vst.idx.msk $0xffff, v9;
	v9 =	vadd.f32 v17, v6  }
0xa9: {  	v17 =	vadd.s32 v2, v8;
	[tilespmem:v20+s17+$0x0] =	vst.idx.msk $0xffff, v11;
	v20 =	vadd.s32 v1, v8;
	v14 =	vld [tilespmem:s24+$0xFFFFFF90]  }
0xaa: {  	v18 =	vld [tilespmem:s24+$0x10];
	v21 =	vor.u32 v13, v17;
	v23 =	vor.u32 v13, v20;
	[tilespmem:v10+s17+$0x0] =	vst.idx.msk $0xffff, v9  }
0xab: {  	v34 =	vor.u32 v16, v17;
	v11 =	vor.u32 v15, v17;
	v10 =	vor.u32 v19, v17;
	v17 =	vld [tilespmem:s24+$0x50]  }
0xac: {  	v24 =	vadd.s32 v3, v8;
	s25 =	simm.s32 $0x6C80;
	v25 =	vor.u32 v16, v20  }
0xad: {  	v28 =	vld [tilespmem:s25+$0xFFFFFFC0];
	v8 =	vor.u32 v13, v24;
	v26 =	vor.u32 v15, v20;
	v20 =	vor.u32 v19, v20  }
0xae: {  	v22 =	vld [tilespmem:s24+$0xFFFFFFD0];
	v9 =	vor.u32 v15, v24;
	v15 =	vadd.s32 $0x4, v12;
	v13 =	vadd.f32 v14, v7  }
0xaf: {  	v12 =	vor.u32 v16, v24;
	v27 =	vand.u32 $0xFFFFFFF8, v15;
	v14 =	vadd.f32 v18, v7;
	v18 =	vld [tilespmem:s25+$0xFFFFFF80]  }
0xb0: {  	v32 =	vld [tilespmem:s25+$0x40];
	v29 =	vadd.s32 v0, v27;
	[tilespmem:v23+s17+$0x0] =	vst.idx.msk $0xffff, v13;
	v23 =	vadd.f32 v17, v7;
	v17 =	vand.u32 $0x4, v15  }
0xb1: {  	[tilespmem:v25+s17+$0x0] =	vst.idx.msk $0xffff, v14;
	v13 =	vor.u32 v19, v24;
	v30 =	vld [tilespmem:s24+$0xFFFFFFA0];
	v24 =	vor.u32 v17, v29;
	v14 =	vor.u32 $0x3, v17  }
0xb2: {  	v31 =	vld [tilespmem:s25+$0x0];
	v35 =	vor.u32 v14, v29  }
0xb3: {  	v28 =	vadd.f32 v28, v6;
	v22 =	vadd.f32 v22, v7;
	[tilespmem:v20+s17+$0x0] =	vst.idx.msk $0xffff, v23;
	v23 =	vld [tilespmem:s24+$0x20];
	v20 =	vor.u32 $0x2, v17  }
0xb4: {  	v16 =	vor.u32 $0x1, v17;
	v33 =	vor.u32 v20, v29;
	v37 =	vadd.f32 v18, v6  }
0xb5: {  	v32 =	vadd.f32 v32, v6;
	[tilespmem:v26+s17+$0x0] =	vst.idx.msk $0xffff, v22;
	v29 =	vor.u32 v16, v29;
	v36 =	vld [tilespmem:s24+$0x60]  }
0xb6: {  	v25 =	vadd.s32 v2, v27;
	v22 =	vadd.f32 v30, v5;
	v30 =	vld [tilespmem:s24+$0xFFFFFFE0];
	[tilespmem:v24+s17+$0x0] =	vst.idx.msk $0xffff, v37  }
0xb7: {  	v26 =	vadd.f32 v31, v6;
	v19 =	vor.u32 v17, v25;
	[tilespmem:v35+s17+$0x0] =	vst.idx.msk $0xffff, v32  }
0xb8: {  	v18 =	vor.u32 v20, v25;
	v63 =	vadd.f32 v23, v5;
	v24 =	vld [tilespmem:s25+$0xFFFFFF90];
	[tilespmem:v21+s17+$0x0] =	vst.idx.msk $0xffff, v22  }
0xb9: {  	v23 =	vor.u32 v16, v25;
	v22 =	vor.u32 v14, v25;
	[tilespmem:v33+s17+$0x0] =	vst.idx.msk $0xffff, v26;
	v25 =	vld [tilespmem:s24+$0xFFFFFFB0]  }
0xba: {  	v26 =	vadd.f32 v36, v5;
	[tilespmem:v29+s17+$0x0] =	vst.idx.msk $0xffff, v28;
	v31 =	vld [tilespmem:s25+$0x10]  }
0xbb: {  	v21 =	vadd.s32 v3, v27;
	v33 =	vadd.s32 v1, v27;
	v28 =	vld [tilespmem:s25+$0xFFFFFFD0];
	v32 =	vadd.f32 v30, v5  }
0xbc: {  	s26 =	simm.s32 $0x4;
	v27 =	vor.u32 v17, v33;
	v29 =	vor.u32 v20, v33;
	[tilespmem:v34+s17+$0x0] =	vst.idx.msk $0xffff, v63;
	v30 =	vld [tilespmem:s25+$0x50]  }
.LBB2_7:
0xbd: {  	s26 =	sadd.s32 $0x4, s26;
	v34 =	vor.u32 v16, v33;
	v33 =	vor.u32 v14, v33;
	[tilespmem:v11+s17+$0x0] =	vst.idx.msk $0xffff, v32;
	v32 =	vld [tilespmem:s24+$0x30];
	v11 =	vmov v23  }
0xbe: {  	v17 =	vor.u32 v17, v21;
	p0 =	slt.u32 s26, $0x7C;
	v23 =	vadd.f32 v25, v4;
	v25 =	vld [tilespmem:s24+$0xFFFFFFF0];
	[tilespmem:v10+s17+$0x0] =	vst.idx.msk $0xffff, v26;
	v10 =	vmov v22  }
0xbf: {  	v22 =	vor.u32 v16, v21;
	v26 =	vor.u32 v20, v21;
	v16 =	vadd.f32 v31, v7;
	v20 =	vld [tilespmem:s24+$0x70];
	s24 =	smov.u32 s25;
	s25 =	sadd.s32 $0x100, s25  }
0xc0: {  	v24 =	vadd.f32 v24, v7;
	v31 =	vld [tilespmem:s25+$0x0];
	v28 =	vadd.f32 v28, v7;
	[tilespmem:v8+s17+$0x0] =	vst.idx.msk $0xffff, v23;
	v8 =	vmov v17  }
0xc1: {  	v15 =	vadd.s32 $0x4, v15;
	v21 =	vor.u32 v14, v21;
	v23 =	vld [tilespmem:s25+$0xFFFFFF80];
	[tilespmem:v29+s17+$0x0] =	vst.idx.msk $0xffff, v16;
	v29 =	vadd.f32 v30, v7  }
0xc2: {  	v17 =	vand.u32 $0x4, v15;
	v30 =	vand.u32 $0xFFFFFFF8, v15;
	v35 =	vld [tilespmem:s25+$0xFFFFFFC0];
	[tilespmem:v27+s17+$0x0] =	vst.idx.msk $0xffff, v24;
	v24 =	vadd.f32 v32, v4  }
0xc3: {  	v16 =	vor.u32 $0x1, v17;
	v27 =	vadd.s32 v0, v30;
	v32 =	vld [tilespmem:s24+$0xFFFFFFA0];
	[tilespmem:v33+s17+$0x0] =	vst.idx.msk $0xffff, v29;
	v25 =	vadd.f32 v25, v4  }
0xc4: {  	v14 =	vor.u32 $0x3, v17;
	v29 =	vor.u32 v17, v27;
	v33 =	vld [tilespmem:s24+$0x20];
	[tilespmem:v12+s17+$0x0] =	vst.idx.msk $0xffff, v24;
	v24 =	vadd.f32 v20, v4  }
0xc5: {  	v36 =	vadd.s32 v2, v30;
	v38 =	vor.u32 v14, v27;
	v20 =	vor.u32 $0x2, v17;
	v37 =	vld [tilespmem:s25+$0x40];
	[tilespmem:v9+s17+$0x0] =	vst.idx.msk $0xffff, v25  }
0xc6: {  	v39 =	vor.u32 v16, v27;
	v25 =	vor.u32 v20, v27;
	v9 =	vmov v22;
	v27 =	vld [tilespmem:s24+$0x60];
	[tilespmem:v13+s17+$0x0] =	vst.idx.msk $0xffff, v24  }
0xc7: {  	v12 =	vmov v26;
	v22 =	vadd.f32 v23, v6;
	v35 =	vadd.f32 v35, v6;
	[tilespmem:v34+s17+$0x0] =	vst.idx.msk $0xffff, v28  }
0xc8: {  	v26 =	vor.u32 v17, v36;
	v13 =	vmovc v21;
	v34 =	vor.u32 v20, v36;
	v28 =	vadd.f32 v32, v5;
	v32 =	vld [tilespmem:s24+$0xFFFFFFE0]  }
0xc9: {  	v21 =	vadd.f32 v31, v6;
	[tilespmem:v29+s17+$0x0] =	vst.idx.msk $0xffff, v22;
	v40 =	vadd.f32 v33, v5  }
.Ltmp2:
0xca: {  	v23 =	vor.u32 v16, v36;
	v22 =	vor.u32 v14, v36;
	v24 =	vld [tilespmem:s25+$0xFFFFFF90];
	[tilespmem:v19+s17+$0x0] =	vst.idx.msk $0xffff, v28;
	v19 =	vmov v26;
	(pc) =	sbr.rel @p0 .LBB2_7-.Ltmp2, $4  }
0xcb: {  	v29 =	vadd.f32 v37, v6;
	[tilespmem:v25+s17+$0x0] =	vst.idx.msk $0xffff, v21;
	v25 =	vld [tilespmem:s24+$0xFFFFFFB0];
	v26 =	vadd.f32 v27, v5  }
0xcc: {  	v21 =	vadd.s32 v3, v30;
	[tilespmem:v39+s17+$0x0] =	vst.idx.msk $0xffff, v35;
	v31 =	vld [tilespmem:s25+$0x10]  }
0xcd: {  	v33 =	vadd.s32 v1, v30;
	v28 =	vld [tilespmem:s25+$0xFFFFFFD0];
	[tilespmem:v38+s17+$0x0] =	vst.idx.msk $0xffff, v29;
	v32 =	vadd.f32 v32, v5  }
0xce: {  	v27 =	vor.u32 v17, v33;
	v29 =	vor.u32 v20, v33;
	v30 =	vld [tilespmem:s25+$0x50];
	[tilespmem:v18+s17+$0x0] =	vst.idx.msk $0xffff, v40;
	v18 =	vmov v34  }
0xcf: {  	_ = 	snop  }
0xd0: {  	v6 =	vor.u32 v16, v33  }
0xd1: {  	v15 =	vor.u32 v14, v33;
	v24 =	vadd.f32 v24, v7  }
0xd2: {  	v31 =	vadd.f32 v31, v7  }
0xd3: {  	[tilespmem:v27+s17+$0x0] =	vst.idx.msk $0xffff, v24;
	v28 =	vadd.f32 v28, v7  }
0xd4: {  	v24 =	vld [tilespmem:s25+$0xFFFFFFA0];
	[tilespmem:v29+s17+$0x0] =	vst.idx.msk $0xffff, v31;
	v47 =	vadd.f32 v30, v7  }
0xd5: {  	v48 =	vld [tilespmem:s25+$0x20];
	[tilespmem:v6+s17+$0x0] =	vst.idx.msk $0xffff, v28  }
0xd6: {  	[tilespmem:v15+s17+$0x0] =	vst.idx.msk $0xffff, v47;
	v6 =	vld [tilespmem:s25+$0xFFFFFFE0]  }
0xd7: {  	v7 =	vld [tilespmem:s25+$0x60];
	_ =	sdelay $0x1  }
0xd8: {  	[tilespmem:v11+s17+$0x0] =	vst.idx.msk $0xffff, v32;
	v49 =	vld [tilespmem:s24+$0x30];
	v50 =	vadd.f32 v24, v5  }
0xd9: {  	[tilespmem:v10+s17+$0x0] =	vst.idx.msk $0xffff, v26;
	v51 =	vld [tilespmem:s24+$0xFFFFFFF0];
	v52 =	vadd.f32 v48, v5  }
0xda: {  	v26 =	vld [tilespmem:s24+$0x70];
	[tilespmem:v19+s17+$0x0] =	vst.idx.msk $0xffff, v50;
	v6 =	vadd.f32 v6, v5  }
0xdb: {  	v15 =	vld [tilespmem:s25+$0xFFFFFFB0];
	v5 =	vadd.f32 v7, v5;
	[tilespmem:v18+s17+$0x0] =	vst.idx.msk $0xffff, v52  }
0xdc: {  	v53 =	vadd.f32 v25, v4;
	[tilespmem:v23+s17+$0x0] =	vst.idx.msk $0xffff, v6;
	v54 =	vld [tilespmem:s25+$0x30]  }
0xdd: {  	v55 =	vor.u32 v17, v21;
	v11 =	vadd.f32 v49, v4;
	v56 =	vld [tilespmem:s25+$0xFFFFFFF0];
	[tilespmem:v22+s17+$0x0] =	vst.idx.msk $0xffff, v5  }
0xde: {  	[tilespmem:v8+s17+$0x0] =	vst.idx.msk $0xffff, v53;
	v57 =	vadd.f32 v51, v4;
	v5 =	vor.u32 v20, v21;
	v58 =	vld [tilespmem:s25+$0x70]  }
0xdf: {  	v59 =	vor.u32 v16, v21;
	v60 =	vadd.f32 v26, v4;
	[tilespmem:v12+s17+$0x0] =	vst.idx.msk $0xffff, v11  }
0xe0: {  	v61 =	vor.u32 v14, v21;
	[tilespmem:v9+s17+$0x0] =	vst.idx.msk $0xffff, v57;
	v62 =	vadd.f32 v15, v4  }
0xe1: {  	s22 =	sshll.u32 s22, $0x7;
	[tilespmem:v13+s17+$0x0] =	vst.idx.msk $0xffff, v60;
	v6 =	vadd.f32 v54, v4  }
0xe2: {  	s23 =	sshll.u32 s23, $0x10;
	s22 =	sand.u32 $0x1C00, s22;
	[tilespmem:v55+s17+$0x0] =	vst.idx.msk $0xffff, v62;
	v63 =	vadd.f32 v56, v4  }
0xe3: {  	s22 =	sor.u32 s22, s23;
	[tilespmem:v5+s17+$0x0] =	vst.idx.msk $0xffff, v6;
	v4 =	vadd.f32 v58, v4  }
0xe4: {  	s22 =	sshrl.u32 s22, $0x3;
	[tilespmem:v59+s17+$0x0] =	vst.idx.msk $0xffff, v63  }
0xe5: {  	s24 =	simm.s32 $0xAD00;
	s23 =	sadd.s32 s2, s22;
	[tilespmem:v61+s17+$0x0] =	vst.idx.msk $0xffff, v4  }
0xe6: {  	[hbm4b:s23+s3] =	stream.linear.scatter [tilespmem:s24], [sflag:$0x4], $0x80, $0x38;
	[tilespmem:$0xCF00] =	vst v63  }
0xe7: {  	s26 =	sadd.s32 $0x10, s23;
	s25 =	simm.s32 $0xAD88  }
0xe8: {  	[hbm4b:s26+s3] =	stream.linear.scatter [tilespmem:s25], [sflag:$0x4], $0x80, $0x38;
	[tilespmem:$0xCF00] =	vst v63  }
0xe9: {  	s28 =	simm.s32 $0xAE10;
	s30 =	simm.s32 $0xAE98;
	s29 =	sadd.s32 $0x20, s23  }
0xea: {  	[hbm4b:s29+s3] =	stream.linear.scatter [tilespmem:s28], [sflag:$0x4], $0x80, $0x38;
	[tilespmem:$0xCF00] =	vst v63  }
0xeb: {  	s22 =	simm.s32 $0x440;
	s31 =	sadd.s32 $0x30, s23;
	s24 =	simm.s32 $0x2200  }
0xec: {  	[hbm4b:s31+s3] =	stream.linear.scatter [tilespmem:s30], [sflag:$0x4], $0x80, $0x38;
	[tilespmem:$0xCF00] =	vst v63  }
0xed: {  	s25 =	simm.s32 $0xAF20;
	s26 =	sadd.s32 $0x40, s23;
	s28 =	simm.s32 $0xAFA8  }
0xee: {  	[hbm4b:s26+s3] =	stream.linear.scatter [tilespmem:s25], [sflag:$0x4], $0x80, $0x38;
	[tilespmem:$0xCF00] =	vst v63  }
0xef: {  	s29 =	sadd.s32 $0x50, s23;
	s30 =	simm.s32 $0xB030;
	s31 =	sadd.s32 $0x60, s23  }
0xf0: {  	[hbm4b:s29+s3] =	stream.linear.scatter [tilespmem:s28], [sflag:$0x4], $0x80, $0x38;
	[tilespmem:$0xCF00] =	vst v63  }
0xf1: {  	s25 =	simm.s32 $0xB0B8;
	s26 =	sadd.s32 $0x70, s23;
	s23 =	sadd.s32 $0x400, s23  }
0xf2: {  	[hbm4b:s31+s3] =	stream.linear.scatter [tilespmem:s30], [sflag:$0x4], $0x80, $0x38;
	[tilespmem:$0xCF00] =	vst v63  }
.LBB2_9:
0xf3: {  	[hbm4b:s26+s3] =	stream.linear.scatter [tilespmem:s25], [sflag:$0x4], $0x80, $0x38;
	[tilespmem:$0xCF00] =	vst v63  }
0xf4: {  	s25 =	smov.u32 s22;
	s22 =	smov.u32 s24  }
0xf5: {  	s28 =	sadd.s32 $0x1100, s24;
	s22 =	sshra.s32 s22, $0x2;
	s26 =	sadd.s32 $0xAD00, s25  }
0xf6: {  	[hbm4b:s23+s3] =	stream.linear.scatter [tilespmem:s26], [sflag:$0x4], $0x80, $0x38;
	[tilespmem:$0xCF00] =	vst v63  }
0xf7: {  	p0 =	sne.s32 s24, $0x7700;
	s24 =	sadd.s32 $0xAD88, s25;
	s26 =	sadd.s32 $0x10, s23  }
0xf8: {  	[hbm4b:s26+s3] =	stream.linear.scatter [tilespmem:s24], [sflag:$0x4], $0x80, $0x38;
	[tilespmem:$0xCF00] =	vst v63  }
0xf9: {  	s24 =	sadd.s32 $0xAE10, s25;
	s26 =	sadd.s32 $0x20, s23  }
0xfa: {  	[hbm4b:s26+s3] =	stream.linear.scatter [tilespmem:s24], [sflag:$0x4], $0x80, $0x38;
	[tilespmem:$0xCF00] =	vst v63  }
0xfb: {  	s24 =	sadd.s32 $0xAE98, s25;
	s26 =	sadd.s32 $0x30, s23  }
0xfc: {  	[hbm4b:s26+s3] =	stream.linear.scatter [tilespmem:s24], [sflag:$0x4], $0x80, $0x38;
	[tilespmem:$0xCF00] =	vst v63  }
0xfd: {  	s24 =	sadd.s32 $0xAF20, s25;
	s26 =	sadd.s32 $0x40, s23  }
0xfe: {  	[hbm4b:s26+s3] =	stream.linear.scatter [tilespmem:s24], [sflag:$0x4], $0x80, $0x38;
	[tilespmem:$0xCF00] =	vst v63  }
.Ltmp3:
0xff: {  	s24 =	sadd.s32 $0xAFA8, s25;
	s26 =	sadd.s32 $0x50, s23;
	(pc) =	sbr.rel @p0 .LBB2_9-.Ltmp3, $4  }
0x100: {  	[hbm4b:s26+s3] =	stream.linear.scatter [tilespmem:s24], [sflag:$0x4], $0x80, $0x38;
	[tilespmem:$0xCF00] =	vst v63  }
0x101: {  	s24 =	sadd.s32 $0xB030, s25;
	s26 =	sadd.s32 $0x60, s23;
	s25 =	sadd.s32 $0xB0B8, s25  }
0x102: {  	[hbm4b:s26+s3] =	stream.linear.scatter [tilespmem:s24], [sflag:$0x4], $0x80, $0x38;
	[tilespmem:$0xCF00] =	vst v63  }
0x103: {  	s26 =	sadd.s32 $0x70, s23;
	s23 =	sadd.s32 $0x400, s23;
	s24 =	smov.u32 s28  }
0x104: {  	[hbm4b:s26+s3] =	stream.linear.scatter [tilespmem:s25], [sflag:$0x4], $0x80, $0x38;
	[tilespmem:$0xCF00] =	vst v63  }
0x105: {  	s24 =	sadd.s32 $0xAD00, s22  }
0x106: {  	[hbm4b:s23+s3] =	stream.linear.scatter [tilespmem:s24], [sflag:$0x4], $0x80, $0x38;
	[tilespmem:$0xCF00] =	vst v63  }
0x107: {  	s30 =	sadd.s32 $0xAD88, s22;
	s31 =	sadd.s32 $0x10, s23  }
0x108: {  	[hbm4b:s31+s3] =	stream.linear.scatter [tilespmem:s30], [sflag:$0x4], $0x80, $0x38;
	[tilespmem:$0xCF00] =	vst v63  }
0x109: {  	s25 =	sadd.s32 $0xAE10, s22;
	s26 =	sadd.s32 $0x20, s23  }
0x10a: {  	[hbm4b:s26+s3] =	stream.linear.scatter [tilespmem:s25], [sflag:$0x4], $0x80, $0x38;
	[tilespmem:$0xCF00] =	vst v63  }
0x10b: {  	s28 =	sadd.s32 $0xAE98, s22;
	s29 =	sadd.s32 $0x30, s23  }
0x10c: {  	[hbm4b:s29+s3] =	stream.linear.scatter [tilespmem:s28], [sflag:$0x4], $0x80, $0x38;
	[tilespmem:$0xCF00] =	vst v63  }
0x10d: {  	s21 =	sadd.s32 $0x1, s21;
	s30 =	sadd.s32 $0xAF20, s22;
	s31 =	sadd.s32 $0x40, s23  }
0x10e: {  	[hbm4b:s31+s3] =	stream.linear.scatter [tilespmem:s30], [sflag:$0x4], $0x80, $0x38;
	[tilespmem:$0xCF00] =	vst v63  }
0x10f: {  	p0 =	sne.s32 s21, $0x19;
	s25 =	sadd.s32 $0xAFA8, s22;
	s26 =	sadd.s32 $0x50, s23  }
0x110: {  	[hbm4b:s26+s3] =	stream.linear.scatter [tilespmem:s25], [sflag:$0x4], $0x80, $0x38;
	[tilespmem:$0xCF00] =	vst v63  }
.Ltmp4:
0x111: {  	_ = 	snop;
	(pc) =	sbr.rel @p0 .LBB2_2-.Ltmp4, $4  }
0x112: {  	s28 =	sadd.s32 $0xB030, s22;
	s29 =	sadd.s32 $0x60, s23  }
0x113: {  	[hbm4b:s29+s3] =	stream.linear.scatter [tilespmem:s28], [sflag:$0x4], $0x80, $0x38;
	[tilespmem:$0xCF00] =	vst v63  }
0x114: {  	s30 =	sadd.s32 $0xB0B8, s22;
	s31 =	sadd.s32 $0x70, s23  }
0x115: {  	[hbm4b:s31+s3] =	stream.linear.scatter [tilespmem:s30], [sflag:$0x4], $0x80, $0x38;
	[tilespmem:$0xCF00] =	vst v63  }
0x116: {  	s20 =	sadd.s32 $0x1, s20  }
0x117: {  	_ =	swait.ge [sflag:s18], $0x2000;
	p0 =	sne.s32 s20, s8  }
.Ltmp5:
0x118: {  	[sflag:s18] =	ssyncset.done $0x0;
	(pc) =	sbr.rel @p0 .LBB2_1-.Ltmp5, $4  }
0x119: {  	[sflag:s18] =	ssyncadd.s32 $0xFFFFE000  }
0x11a: {  	_ =	swait.ge [sflag:s19], $0x2000  }
0x11b: {  	[sflag:s19] =	ssyncset.done $0x0  }
0x11c: {  	[sflag:s19] =	ssyncadd.s32 $0xFFFFE000  }
0x11d: {  	_ =	sfence.sel $0x180000  }
0x11e: {  	[bflag:$0x0] =	sbarrier.arrive $0xFFFF  }
0x11f: {  	p0 =	sne.s32 s1, $0x0;
	_ =	strace $0x90000047  }
0x120: {  	s0 =	sadd.s32 @!p0 $0x100000, s0;
	[bflag:$0x2] =	sbarrier.arrive $0xFFFF  }
0x121: {  	[sflag:s0] =	ssyncadd.tile.s32 @!p0 $0x1;
	_ =	shalt  }
.Lfunc_end2:
_tile_overlayer_lowered:
.L_overlay_start_2:
0x122: {  	(tag) =	ssettag $0x2  }
0x123: {  	s0 =	rddreg [dreg:$0x0];
	s2 =	stileid.u32  }
0x124: {  	s1 =	rddreg [dreg:$0x1];
	p0 =	sne.s32 s2, $0x0  }
0x125: {  	s3 =	rddreg [dreg:$0x2];
	[bflag:$0x3] =	sbarrier.arrive $0xFFFF;
	s2 =	simm.s32 @!p0 $0x1C05  }
0x126: {  	[timem:s3], [sflag:s2] =	dma.local @!p0 [hbm:s0], s1  }
0x127: {  	s0 =	simm.s32 @!p0 $0x5  }
0x128: {  	_ =	swait.ge @!p0 [sflag:s0], s1  }
0x129: {  	s1 =	ssub.s32 @!p0 $0x0, s1;
	[sflag:s0] =	ssyncset.done @!p0 $0x0  }
0x12a: {  	[sflag:s0] =	ssyncadd.s32 @!p0 s1  }
0x12b: {  	[bflag:$0x3] =	sbarrier.arrive $0xFFFF  }
0x12c: {  	_ =	shalt  }

</sc_bundles>
